<compile_context>
chip_gen: v7x
topology: tpu7x:2x2x1
jax: 0.10.2.dev20260603
libtpu: 0.0.44.dev20260713+nightly
codegen_flags: <defaults>
</compile_context>

<pallas_src>
import functools

import jax
import jax.numpy as jnp
from jax import lax
from jax.experimental import pallas as pl
from jax.experimental.pallas import tpu as pltpu
from jax.experimental.pallas import tpu_sc as plsc

N = 10000
E = 320000
F = 128
HID = 128
NC = 64
H = 4

NSUB = 16
NCORE = 2
NW = NSUB * NCORE
NPAD = 10112
ROWS_PER_SUB = NPAD // NSUB

C = 64
EPW_RAW = E // NW
NCHUNK = -(-EPW_RAW // C)
EPW = NCHUNK * C

_PREC = jax.lax.Precision.HIGHEST


def _dot(a, b):
    return jax.lax.dot_general(a, b, (((1,), (0,)), ((), ())),
                               precision=_PREC,
                               preferred_element_type=jnp.float32)


def _dense_tail(x, gw_ref, asrc_ref, adst_ref, h_ref, esd_ref, hid):
    h = _dot(x, gw_ref[...])
    ys = h * asrc_ref[...]
    yd = h * adst_ref[...]
    k = hid // H
    cols = [jnp.sum(ys[:, i * k:(i + 1) * k], axis=1, keepdims=True)
            for i in range(H)]
    cols += [jnp.sum(yd[:, i * k:(i + 1) * k], axis=1, keepdims=True)
             for i in range(H)]
    cols.append(jnp.zeros((N, 16 - 2 * H), jnp.float32))
    esd = jnp.concatenate(cols, axis=1)
    zpad = jnp.zeros((NPAD - N, hid), jnp.float32)
    h_ref[...] = jnp.concatenate([h, zpad], axis=0)
    esd_ref[...] = jnp.concatenate([esd, jnp.zeros((NPAD - N, 16), jnp.float32)],
                                   axis=0)


def _dense_core(x, w_ref, b_ref, g_ref, bb_ref):
    x = _dot(x, w_ref[...]) + b_ref[...]
    m = jnp.mean(x, axis=0, keepdims=True)
    xc = x - m
    v = jnp.mean(xc * xc, axis=0, keepdims=True)
    x = xc / jnp.sqrt(v + 1e-5) * g_ref[...] + bb_ref[...]
    return jnp.maximum(x, 0.01 * x)


def _dense0_body(nodes_ref, w_ref, b_ref, g_ref, bb_ref, gw_ref, asrc_ref,
                 adst_ref, h_ref, esd_ref):
    x = _dense_core(nodes_ref[...], w_ref, b_ref, g_ref, bb_ref)
    _dense_tail(x, gw_ref, asrc_ref, adst_ref, h_ref, esd_ref, HID)


def _agg_from_partials(p_ref, hid):
    acc = p_ref[0] + p_ref[1]
    k = hid // H
    xs = []
    for i in range(H):
        den = acc[:N, hid + i:hid + i + 1] + 1e-16
        xs.append(acc[:N, i * k:(i + 1) * k] / den)
    return jnp.concatenate(xs, axis=1)


def _agg0_body(p_ref, gb0_ref, x_ref):
    x_ref[...] = _agg_from_partials(p_ref, HID) + gb0_ref[...]


def _dense1_body(x_ref, w_ref, b_ref, g_ref, bb_ref, gw_ref, asrc_ref,
                 adst_ref, h_ref, esd_ref):
    x = _dense_core(x_ref[...], w_ref, b_ref, g_ref, bb_ref)
    _dense_tail(x, gw_ref, asrc_ref, adst_ref, h_ref, esd_ref, NC)


def _fin_body(p_ref, gb1_ref, out_ref):
    o = _agg_from_partials(p_ref, NC) + gb1_ref[...]
    m = jnp.max(o, axis=1, keepdims=True)
    o = o - m
    lse = jnp.log(jnp.sum(jnp.exp(o), axis=1, keepdims=True))
    out_ref[...] = o - lse


_TC_PARAMS = pltpu.CompilerParams(vmem_limit_bytes=50 * 1024 * 1024)

_dense0_call = pl.pallas_call(
    _dense0_body,
    compiler_params=_TC_PARAMS,
    out_shape=[jax.ShapeDtypeStruct((NPAD, HID), jnp.float32),
               jax.ShapeDtypeStruct((NPAD, 16), jnp.float32)])

_agg0_call = pl.pallas_call(
    _agg0_body,
    compiler_params=_TC_PARAMS,
    out_shape=jax.ShapeDtypeStruct((N, HID), jnp.float32))

_dense1_call = pl.pallas_call(
    _dense1_body,
    compiler_params=_TC_PARAMS,
    out_shape=[jax.ShapeDtypeStruct((NPAD, NC), jnp.float32),
               jax.ShapeDtypeStruct((NPAD, 16), jnp.float32)])

_fin_call = pl.pallas_call(
    _fin_body,
    compiler_params=_TC_PARAMS,
    out_shape=jax.ShapeDtypeStruct((N, NC), jnp.float32))


def _make_sc_edge(hid):
    w = hid + 16
    nv = hid // 16
    vk = nv // H
    mesh = plsc.VectorSubcoreMesh(core_axis_name="c", subcore_axis_name="s",
                                  num_cores=NCORE, num_subcores=NSUB)

    @functools.partial(
        pl.kernel,
        out_type=jax.ShapeDtypeStruct((NCORE * NPAD, w), jnp.float32),
        mesh=mesh,
        compiler_params=pltpu.CompilerParams(needs_layout_passes=False,
                                             use_tc_tiling_on_sc=False),
        scratch_types=[
            pltpu.VMEM((C,), jnp.int32),
            pltpu.VMEM((C,), jnp.int32),
            pltpu.VMEM((C, 16), jnp.float32),
            pltpu.VMEM((C, 16), jnp.float32),
            pltpu.VMEM((C, hid), jnp.float32),
            pltpu.VMEM((C, w), jnp.float32),
            pltpu.VMEM((C, 16), jnp.float32),
            pltpu.VMEM_SHARED((NPAD, w), jnp.float32),
        ],
    )
    def sc_edge(h_hbm, esd_hbm, src_hbm, dst_hbm, z_hbm, part_hbm,
                src_buf, dst_buf, esd_s, esd_d, hrows, upd, wbuf, acc):
        cid = lax.axis_index("c")
        sid = lax.axis_index("s")
        wid = sid * NCORE + cid

        def _zrow(r, carry):
            wbuf[r, :] = jnp.zeros((16,), jnp.float32)
            return carry
        lax.fori_loop(0, C, _zrow, 0)

        r0 = sid * ROWS_PER_SUB
        pltpu.sync_copy(z_hbm.at[pl.ds(r0, ROWS_PER_SUB)],
                        acc.at[pl.ds(r0, ROWS_PER_SUB)])
        plsc.subcore_barrier()

        ebase = wid * EPW
        lanes = lax.iota(jnp.int32, 16)

        def _chunk(kk, carry):
            cb = ebase + kk * C
            pltpu.sync_copy(src_hbm.at[pl.ds(cb, C)], src_buf)
            pltpu.sync_copy(dst_hbm.at[pl.ds(cb, C)], dst_buf)
            pltpu.sync_copy(esd_hbm.at[src_buf], esd_s)
            pltpu.sync_copy(esd_hbm.at[dst_buf], esd_d)
            pltpu.sync_copy(h_hbm.at[src_buf], hrows)

            for g in range(C // 16):
                ridx = lanes + g * 16
                for head in range(H):
                    cidx = jnp.full((16,), head, jnp.int32)
                    es = plsc.load_gather(esd_s, [ridx, cidx])
                    ed = plsc.load_gather(esd_d, [ridx, cidx + H])
                    s = es + ed
                    wv = jnp.exp(jnp.maximum(s, 0.2 * s))
                    plsc.store_scatter(wbuf, [ridx, cidx], wv)

            def _edge(c, carry):
                wrow = wbuf[c, :]
                upd[c, pl.ds(hid, 16)] = wrow
                for head in range(H):
                    ws = jnp.full((16,), wrow[head])
                    for j in range(vk):
                        off = (head * vk + j) * 16
                        upd[c, pl.ds(off, 16)] = hrows[c, pl.ds(off, 16)] * ws
                return carry
            lax.fori_loop(0, C, _edge, 0)

            pltpu.sync_copy(upd, acc.at[dst_buf], add=True)
            return carry

        lax.fori_loop(0, NCHUNK, _chunk, 0)
        plsc.subcore_barrier()
        pltpu.sync_copy(acc.at[pl.ds(r0, ROWS_PER_SUB)],
                        part_hbm.at[pl.ds(cid * NPAD + r0, ROWS_PER_SUB)])

    return sc_edge


_sc_cache = {}


def _sc_edge(hid):
    if hid not in _sc_cache:
        _sc_cache[hid] = _make_sc_edge(hid)
    return _sc_cache[hid]


def kernel(nodes, lin_W0, lin_b0, bn_g0, bn_b0, gat_W0, att_src0, att_dst0,
           gat_b0, lin_W1, lin_b1, bn_g1, bn_b1, gat_W1, att_src1, att_dst1,
           gat_b1, edges):
    f32 = jnp.float32
    row = lambda a: a.reshape(1, -1).astype(f32)

    src = edges[:, 0].astype(jnp.int32).reshape(NW, EPW_RAW)
    dst = edges[:, 1].astype(jnp.int32).reshape(NW, EPW_RAW)
    pad = N + (jnp.arange(EPW - EPW_RAW, dtype=jnp.int32) % (NPAD - N))
    pad = jnp.broadcast_to(pad, (NW, EPW - EPW_RAW))
    src_p = jnp.concatenate([src, pad], axis=1).reshape(-1)
    dst_p = jnp.concatenate([dst, pad], axis=1).reshape(-1)

    z0 = jnp.zeros((NPAD, HID + 16), f32)
    z1 = jnp.zeros((NPAD, NC + 16), f32)

    h0, esd0 = _dense0_call(nodes.astype(f32), lin_W0, row(lin_b0),
                            row(bn_g0), row(bn_b0), gat_W0,
                            row(att_src0), row(att_dst0))
    p0 = _sc_edge(HID)(h0, esd0, src_p, dst_p, z0).reshape(NCORE, NPAD, HID + 16)
    x1 = _agg0_call(p0, row(gat_b0))
    h1, esd1 = _dense1_call(x1, lin_W1, row(lin_b1),
                            row(bn_g1), row(bn_b1), gat_W1,
                            row(att_src1), row(att_dst1))
    p1 = _sc_edge(NC)(h1, esd1, src_p, dst_p, z1).reshape(NCORE, NPAD, NC + 16)
    return _fin_call(p1, row(gat_b1))

# --- scband reference (transcript-rebuilt; emitter-appended) ---
"""Pipeline reference for scband-gatmodel-88295937671176 (READ-ONLY COPY).

The authoritative reference and input builder live on the scoring server;
editing this copy changes nothing except your own understanding.
"""

import jax, jax.numpy as jnp
import numpy as np

N = 10000
E = 320000
F = 128
HID = 128
NC = 64
H = 4

def setup_inputs(seed: int = 0):
    key = jax.random.key(seed)
    ks = jax.random.split(key, 16)
    s = 1.0 / np.sqrt(F)
    inp = {}
    inp["nodes"] = jax.random.normal(ks[0], (N, F), dtype=jnp.float32)
    inp["lin_W0"] = jax.random.uniform(ks[1], (F, F), minval=-s, maxval=s, dtype=jnp.float32)
    inp["lin_b0"] = jax.random.uniform(ks[2], (F,), minval=-s, maxval=s, dtype=jnp.float32)
    inp["bn_g0"] = jnp.ones((F,), dtype=jnp.float32)
    inp["bn_b0"] = jnp.zeros((F,), dtype=jnp.float32)
    inp["gat_W0"] = jax.random.normal(ks[3], (F, HID), dtype=jnp.float32) * 0.1
    inp["att_src0"] = jax.random.normal(ks[4], (H, HID // H), dtype=jnp.float32) * 0.1
    inp["att_dst0"] = jax.random.normal(ks[5], (H, HID // H), dtype=jnp.float32) * 0.1
    inp["gat_b0"] = jnp.zeros((HID,), dtype=jnp.float32)
    s2 = 1.0 / np.sqrt(HID)
    inp["lin_W1"] = jax.random.uniform(ks[6], (HID, HID), minval=-s2, maxval=s2, dtype=jnp.float32)
    inp["lin_b1"] = jax.random.uniform(ks[7], (HID,), minval=-s2, maxval=s2, dtype=jnp.float32)
    inp["bn_g1"] = jnp.ones((HID,), dtype=jnp.float32)
    inp["bn_b1"] = jnp.zeros((HID,), dtype=jnp.float32)
    inp["gat_W1"] = jax.random.normal(ks[8], (HID, NC), dtype=jnp.float32) * 0.1
    inp["att_src1"] = jax.random.normal(ks[9], (H, NC // H), dtype=jnp.float32) * 0.1
    inp["att_dst1"] = jax.random.normal(ks[10], (H, NC // H), dtype=jnp.float32) * 0.1
    inp["gat_b1"] = jnp.zeros((NC,), dtype=jnp.float32)
    inp["edges"] = jax.random.randint(ks[11], (E, 2), 0, N)
    return inp

def _gat_layer(x, edges_t, linW, linb, bng, bnb, gatW, asrc, adst, gatb, softmax_out):
    x = x @ linW + linb
    mean = jnp.mean(x, axis=0)
    var = jnp.var(x, axis=0)
    x = (x - mean) / jnp.sqrt(var + 1e-5) * bng + bnb
    x = jax.nn.leaky_relu(x, 0.01)
    n = x.shape[0]
    h = (x @ gatW).reshape(n, H, -1)
    src = edges_t[0]
    dst = edges_t[1]
    e_src = jnp.sum(h * asrc[None, :, :], axis=-1)
    e_dst = jnp.sum(h * adst[None, :, :], axis=-1)
    e = jax.nn.leaky_relu(e_src[src] + e_dst[dst], 0.2)
    emax = jax.ops.segment_max(e, dst, num_segments=n)
    emax = jnp.where(jnp.isfinite(emax), emax, 0.0)
    ex = jnp.exp(e - emax[dst])
    denom = jax.ops.segment_sum(ex, dst, num_segments=n)
    coef = ex / (denom[dst] + 1e-16)
    out = jax.ops.segment_sum(h[src] * coef[:, :, None], dst, num_segments=n)
    out = out.reshape(n, -1) + gatb
    if softmax_out:
        out = jax.nn.log_softmax(out, axis=1)
    return out

def reference(nodes, lin_W0, lin_b0, bn_g0, bn_b0, gat_W0, att_src0, att_dst0, gat_b0, lin_W1, lin_b1, bn_g1, bn_b1, gat_W1, att_src1, att_dst1, gat_b1, edges):
    edges_t = edges.T
    x = _gat_layer(nodes, edges_t, lin_W0, lin_b0, bn_g0, bn_b0, gat_W0, att_src0, att_dst0, gat_b0, False)
    x = _gat_layer(x, edges_t, lin_W1, lin_b1, bn_g1, bn_b1, gat_W1, att_src1, att_dst1, gat_b1, True)
    return x

if __name__ == "__main__":
    import jax
    _d = setup_inputs()
    print(jax.jit(kernel)(*tuple(_d.values())))

</pallas_src>

<mosaic_0001>
#map = affine_map<(d0, d1) -> (0, 0)>
#map1 = affine_map<(d0, d1) -> (0)>
module attributes {stable_mosaic.version = 14 : i64} {
  func.func @sc_edge(%arg0: i32, %arg1: i32, %arg2: memref<10112x128xf32, #tpu.memory_space<hbm>>, %arg3: memref<10112x16xf32, #tpu.memory_space<hbm>>, %arg4: memref<321536xi32, #tpu.memory_space<hbm>>, %arg5: memref<321536xi32, #tpu.memory_space<hbm>>, %arg6: memref<10112x144xf32, #tpu.memory_space<hbm>>, %arg7: memref<20224x144xf32, #tpu.memory_space<hbm>>, %arg8: memref<64xi32, #tpu.memory_space<vmem>>, %arg9: memref<64xi32, #tpu.memory_space<vmem>>, %arg10: memref<64x16xf32, #tpu.memory_space<vmem>>, %arg11: memref<64x16xf32, #tpu.memory_space<vmem>>, %arg12: memref<64x128xf32, #tpu.memory_space<vmem>>, %arg13: memref<64x144xf32, #tpu.memory_space<vmem>>, %arg14: memref<64x16xf32, #tpu.memory_space<vmem>>, %arg15: memref<10112x144xf32, #tpu.memory_space<vmem_shared>>) attributes {dimension_semantics = [#tpu.dimension_semantics<core_parallel>, #tpu.dimension_semantics<subcore_parallel>], iteration_bounds = array<i64: 2, 16>, scalar_prefetch = 0 : i64, scratch_operands = 8 : i64, tpu.core_type = #tpu.core_type<sc_vector_subcore>, window_params = [{transform_indices = #map}, {transform_indices = #map}, {transform_indices = #map1}, {transform_indices = #map1}, {transform_indices = #map}, {transform_indices = #map}]} {
    %mul3A = arith.constant 2 : i32
    %mul3A_0 = arith.muli %arg1, %mul3A : i32
    %add3A = arith.addi %mul3A_0, %arg0 : i32
    %scan3A = arith.constant 0 : i32
    %scan3A_1 = arith.constant 0 : i32
    %scan3A_2 = arith.constant 64 : i32
    %scan3A_3 = arith.addi %scan3A_1, %scan3A_2 : i32
    %scan3A_4 = arith.constant 1 : i32
    scf.for %scan3A_20 = %scan3A_1 to %scan3A_3 step %scan3A_4  : i32 {
      %broadcast_in_dim3A = arith.constant 0.000000e+00 : f32
      %broadcast_in_dim3A_21 = vector.broadcast %broadcast_in_dim3A : f32 to vector<16xf32>
      %swap3A = arith.index_cast %scan3A_20 : i32 to index
      %swap3A_22 = arith.constant 0 : index
      %swap3A_23 = tpu.vector_load %arg14[%swap3A, %swap3A_22] {strides = array<i32>} : memref<64x16xf32, #tpu.memory_space<vmem>>, vector<16xf32>,
      tpu.vector_store %arg14[%swap3A, %swap3A_22], %broadcast_in_dim3A_21 {strides = array<i32>} : memref<64x16xf32, #tpu.memory_space<vmem>>, vector<16xf32>,
    }
    %scan3A_5 = arith.constant 64 : i32
    %mul3A_6 = arith.constant 632 : i32
    %mul3A_7 = arith.muli %arg1, %mul3A_6 : i32
    "tpu.region"() ({
      %run_scoped3A = tpu.sem_alloc : memref<!tpu.dma_semaphore, #tpu.memory_space<semaphore_mem>>
      %dma_start3A = arith.constant 0 : i32
      %dma_start3A_20 = tpu.memref_slice %arg15[%mul3A_7, %dma_start3A] : memref<10112x144xf32, #tpu.memory_space<vmem_shared>> -> memref<632x144xf32, #tpu.memory_space<vmem_shared>>
      %dma_start3A_21 = arith.constant 0 : i32
      %dma_start3A_22 = tpu.memref_slice %arg6[%mul3A_7, %dma_start3A_21] : memref<10112x144xf32, #tpu.memory_space<hbm>> -> memref<632x144xf32, #tpu.memory_space<hbm>>
      tpu.enqueue_dma source(%dma_start3A_22 : memref<632x144xf32, #tpu.memory_space<hbm>>) target(%dma_start3A_20 : memref<632x144xf32, #tpu.memory_space<vmem_shared>>) target_semaphore(%run_scoped3A : memref<!tpu.dma_semaphore, #tpu.memory_space<semaphore_mem>>)
      %dma_wait3A = arith.constant 0 : i32
      %dma_wait3A_23 = tpu.memref_slice %arg15[%mul3A_7, %dma_wait3A] : memref<10112x144xf32, #tpu.memory_space<vmem_shared>> -> memref<632x144xf32, #tpu.memory_space<vmem_shared>>
      %dma_wait3A_24 = arith.constant 0 : i32
      %dma_wait3A_25 = tpu.memref_slice %arg6[%mul3A_7, %dma_wait3A_24] : memref<10112x144xf32, #tpu.memory_space<hbm>> -> memref<632x144xf32, #tpu.memory_space<hbm>>
      tpu.wait_dma2 semaphore(%run_scoped3A : memref<!tpu.dma_semaphore, #tpu.memory_space<semaphore_mem>>) src(%dma_wait3A_25 : memref<632x144xf32, #tpu.memory_space<hbm>>) dst(%dma_wait3A_23 : memref<632x144xf32, #tpu.memory_space<vmem_shared>>)
      tpu.yield
    }) : () -> ()
    %barrier3A = arith.constant 0 : index
    tpu.barrier barrier_id(%barrier3A)
    %mul3A_8 = arith.constant 10048 : i32
    %mul3A_9 = arith.muli %add3A, %mul3A_8 : i32
    %iota3A = tpu.iota {dimensions = array<i32: 0>} : vector<16xi32>
    %scan3A_10 = arith.constant 0 : i32
    %scan3A_11 = arith.constant 0 : i32
    %scan3A_12 = arith.constant 157 : i32
    %scan3A_13 = arith.addi %scan3A_11, %scan3A_12 : i32
    %scan3A_14 = arith.constant 1 : i32
    scf.for %scan3A_20 = %scan3A_11 to %scan3A_13 step %scan3A_14  : i32 {
      %mul3A_21 = arith.constant 64 : i32
      %mul3A_22 = arith.muli %scan3A_20, %mul3A_21 : i32
      %add3A_23 = arith.addi %mul3A_9, %mul3A_22 : i32
      "tpu.region"() ({
        %run_scoped3A = tpu.sem_alloc : memref<!tpu.dma_semaphore, #tpu.memory_space<semaphore_mem>>
        %dma_start3A = tpu.memref_slice %arg4[%add3A_23] : memref<321536xi32, #tpu.memory_space<hbm>> -> memref<64xi32, #tpu.memory_space<hbm>>
        %dma_start3A_246 = tpu.memref_slice %arg4[%add3A_23] : memref<321536xi32, #tpu.memory_space<hbm>> -> memref<64xi32, #tpu.memory_space<hbm>>
        tpu.enqueue_dma source(%dma_start3A_246 : memref<64xi32, #tpu.memory_space<hbm>>) target(%arg8 : memref<64xi32, #tpu.memory_space<vmem>>) target_semaphore(%run_scoped3A : memref<!tpu.dma_semaphore, #tpu.memory_space<semaphore_mem>>)
        %dma_wait3A = tpu.memref_slice %arg4[%add3A_23] : memref<321536xi32, #tpu.memory_space<hbm>> -> memref<64xi32, #tpu.memory_space<hbm>>
        %dma_wait3A_247 = tpu.memref_slice %arg4[%add3A_23] : memref<321536xi32, #tpu.memory_space<hbm>> -> memref<64xi32, #tpu.memory_space<hbm>>
        tpu.wait_dma2 semaphore(%run_scoped3A : memref<!tpu.dma_semaphore, #tpu.memory_space<semaphore_mem>>) src(%dma_wait3A_247 : memref<64xi32, #tpu.memory_space<hbm>>) dst(%arg8 : memref<64xi32, #tpu.memory_space<vmem>>)
        tpu.yield
      }) : () -> ()
      "tpu.region"() ({
        %run_scoped3A = tpu.sem_alloc : memref<!tpu.dma_semaphore, #tpu.memory_space<semaphore_mem>>
        %dma_start3A = tpu.memref_slice %arg5[%add3A_23] : memref<321536xi32, #tpu.memory_space<hbm>> -> memref<64xi32, #tpu.memory_space<hbm>>
        %dma_start3A_246 = tpu.memref_slice %arg5[%add3A_23] : memref<321536xi32, #tpu.memory_space<hbm>> -> memref<64xi32, #tpu.memory_space<hbm>>
        tpu.enqueue_dma source(%dma_start3A_246 : memref<64xi32, #tpu.memory_space<hbm>>) target(%arg9 : memref<64xi32, #tpu.memory_space<vmem>>) target_semaphore(%run_scoped3A : memref<!tpu.dma_semaphore, #tpu.memory_space<semaphore_mem>>)
        %dma_wait3A = tpu.memref_slice %arg5[%add3A_23] : memref<321536xi32, #tpu.memory_space<hbm>> -> memref<64xi32, #tpu.memory_space<hbm>>
        %dma_wait3A_247 = tpu.memref_slice %arg5[%add3A_23] : memref<321536xi32, #tpu.memory_space<hbm>> -> memref<64xi32, #tpu.memory_space<hbm>>
        tpu.wait_dma2 semaphore(%run_scoped3A : memref<!tpu.dma_semaphore, #tpu.memory_space<semaphore_mem>>) src(%dma_wait3A_247 : memref<64xi32, #tpu.memory_space<hbm>>) dst(%arg9 : memref<64xi32, #tpu.memory_space<vmem>>)
        tpu.yield
      }) : () -> ()
      "tpu.region"() ({
        %run_scoped3A = tpu.sem_alloc : memref<!tpu.dma_semaphore, #tpu.memory_space<semaphore_mem>>
        %dma_start3A = arith.constant 0 : i32
        %dma_start3A_246 = arith.constant 0 : i32
        %dma_start3A_247 = tpu.memref_slice %arg3[%dma_start3A, %dma_start3A_246] : memref<10112x16xf32, #tpu.memory_space<hbm>> -> memref<10112x16xf32, #tpu.memory_space<hbm>>
        tpu.enqueue_indirect_dma source(%dma_start3A_247 : memref<10112x16xf32, #tpu.memory_space<hbm>>) target(%arg10 : memref<64x16xf32, #tpu.memory_space<vmem>>) offsets(%arg8 : memref<64xi32, #tpu.memory_space<vmem>>) semaphore(%run_scoped3A : memref<!tpu.dma_semaphore, #tpu.memory_space<semaphore_mem>>)
        %dma_wait3A = arith.constant 0 : i32
        %dma_wait3A_248 = arith.constant 0 : i32
        %dma_wait3A_249 = tpu.memref_slice %arg3[%dma_wait3A, %dma_wait3A_248] : memref<10112x16xf32, #tpu.memory_space<hbm>> -> memref<10112x16xf32, #tpu.memory_space<hbm>>
        tpu.wait_indirect_dma semaphore(%run_scoped3A : memref<!tpu.dma_semaphore, #tpu.memory_space<semaphore_mem>>) src(%dma_wait3A_249 : memref<10112x16xf32, #tpu.memory_space<hbm>>) dst(%arg10 : memref<64x16xf32, #tpu.memory_space<vmem>>)
        tpu.yield
      }) : () -> ()
      "tpu.region"() ({
        %run_scoped3A = tpu.sem_alloc : memref<!tpu.dma_semaphore, #tpu.memory_space<semaphore_mem>>
        %dma_start3A = arith.constant 0 : i32
        %dma_start3A_246 = arith.constant 0 : i32
        %dma_start3A_247 = tpu.memref_slice %arg3[%dma_start3A, %dma_start3A_246] : memref<10112x16xf32, #tpu.memory_space<hbm>> -> memref<10112x16xf32, #tpu.memory_space<hbm>>
        tpu.enqueue_indirect_dma source(%dma_start3A_247 : memref<10112x16xf32, #tpu.memory_space<hbm>>) target(%arg11 : memref<64x16xf32, #tpu.memory_space<vmem>>) offsets(%arg9 : memref<64xi32, #tpu.memory_space<vmem>>) semaphore(%run_scoped3A : memref<!tpu.dma_semaphore, #tpu.memory_space<semaphore_mem>>)
        %dma_wait3A = arith.constant 0 : i32
        %dma_wait3A_248 = arith.constant 0 : i32
        %dma_wait3A_249 = tpu.memref_slice %arg3[%dma_wait3A, %dma_wait3A_248] : memref<10112x16xf32, #tpu.memory_space<hbm>> -> memref<10112x16xf32, #tpu.memory_space<hbm>>
        tpu.wait_indirect_dma semaphore(%run_scoped3A : memref<!tpu.dma_semaphore, #tpu.memory_space<semaphore_mem>>) src(%dma_wait3A_249 : memref<10112x16xf32, #tpu.memory_space<hbm>>) dst(%arg11 : memref<64x16xf32, #tpu.memory_space<vmem>>)
        tpu.yield
      }) : () -> ()
      "tpu.region"() ({
        %run_scoped3A = tpu.sem_alloc : memref<!tpu.dma_semaphore, #tpu.memory_space<semaphore_mem>>
        %dma_start3A = arith.constant 0 : i32
        %dma_start3A_246 = arith.constant 0 : i32
        %dma_start3A_247 = tpu.memref_slice %arg2[%dma_start3A, %dma_start3A_246] : memref<10112x128xf32, #tpu.memory_space<hbm>> -> memref<10112x128xf32, #tpu.memory_space<hbm>>
        tpu.enqueue_indirect_dma source(%dma_start3A_247 : memref<10112x128xf32, #tpu.memory_space<hbm>>) target(%arg12 : memref<64x128xf32, #tpu.memory_space<vmem>>) offsets(%arg8 : memref<64xi32, #tpu.memory_space<vmem>>) semaphore(%run_scoped3A : memref<!tpu.dma_semaphore, #tpu.memory_space<semaphore_mem>>)
        %dma_wait3A = arith.constant 0 : i32
        %dma_wait3A_248 = arith.constant 0 : i32
        %dma_wait3A_249 = tpu.memref_slice %arg2[%dma_wait3A, %dma_wait3A_248] : memref<10112x128xf32, #tpu.memory_space<hbm>> -> memref<10112x128xf32, #tpu.memory_space<hbm>>
        tpu.wait_indirect_dma semaphore(%run_scoped3A : memref<!tpu.dma_semaphore, #tpu.memory_space<semaphore_mem>>) src(%dma_wait3A_249 : memref<10112x128xf32, #tpu.memory_space<hbm>>) dst(%arg12 : memref<64x128xf32, #tpu.memory_space<vmem>>)
        tpu.yield
      }) : () -> ()
      %add3A_24 = arith.constant 0 : i32
      %add3A_25 = vector.broadcast %add3A_24 : i32 to vector<16xi32>
      %add3A_26 = arith.addi %iota3A, %add3A_25 : vector<16xi32>
      %broadcast_in_dim3A = arith.constant 0 : i32
      %broadcast_in_dim3A_27 = vector.broadcast %broadcast_in_dim3A : i32 to vector<16xi32>
      %gather3A = tpu.vector_load_idx %arg10[%add3A_26, %broadcast_in_dim3A_27] : memref<64x16xf32, #tpu.memory_space<vmem>>[vector<16xi32>, vector<16xi32>], vector<16xf32>,
      %add3A_28 = arith.constant 4 : i32
      %add3A_29 = vector.broadcast %add3A_28 : i32 to vector<16xi32>
      %add3A_30 = arith.addi %broadcast_in_dim3A_27, %add3A_29 : vector<16xi32>
      %gather3A_31 = tpu.vector_load_idx %arg11[%add3A_26, %add3A_30] : memref<64x16xf32, #tpu.memory_space<vmem>>[vector<16xi32>, vector<16xi32>], vector<16xf32>,
      %add3A_32 = arith.addf %gather3A, %gather3A_31 : vector<16xf32>
      %mul3A_33 = arith.constant 2.000000e-01 : f32
      %mul3A_34 = vector.broadcast %mul3A_33 : f32 to vector<16xf32>
      %mul3A_35 = arith.mulf %mul3A_34, %add3A_32 : vector<16xf32>
      %max3A = arith.maximumf %add3A_32, %mul3A_35 : vector<16xf32>
      %exp3A = math.exp %max3A : vector<16xf32>
      tpu.vector_store_idx %arg14[%add3A_26, %broadcast_in_dim3A_27], %exp3A : memref<64x16xf32, #tpu.memory_space<vmem>>[vector<16xi32>, vector<16xi32>], vector<16xf32>,
      %broadcast_in_dim3A_36 = arith.constant 1 : i32
      %broadcast_in_dim3A_37 = vector.broadcast %broadcast_in_dim3A_36 : i32 to vector<16xi32>
      %gather3A_38 = tpu.vector_load_idx %arg10[%add3A_26, %broadcast_in_dim3A_37] : memref<64x16xf32, #tpu.memory_space<vmem>>[vector<16xi32>, vector<16xi32>], vector<16xf32>,
      %add3A_39 = arith.constant 4 : i32
      %add3A_40 = vector.broadcast %add3A_39 : i32 to vector<16xi32>
      %add3A_41 = arith.addi %broadcast_in_dim3A_37, %add3A_40 : vector<16xi32>
      %gather3A_42 = tpu.vector_load_idx %arg11[%add3A_26, %add3A_41] : memref<64x16xf32, #tpu.memory_space<vmem>>[vector<16xi32>, vector<16xi32>], vector<16xf32>,
      %add3A_43 = arith.addf %gather3A_38, %gather3A_42 : vector<16xf32>
      %mul3A_44 = arith.constant 2.000000e-01 : f32
      %mul3A_45 = vector.broadcast %mul3A_44 : f32 to vector<16xf32>
      %mul3A_46 = arith.mulf %mul3A_45, %add3A_43 : vector<16xf32>
      %max3A_47 = arith.maximumf %add3A_43, %mul3A_46 : vector<16xf32>
      %exp3A_48 = math.exp %max3A_47 : vector<16xf32>
      tpu.vector_store_idx %arg14[%add3A_26, %broadcast_in_dim3A_37], %exp3A_48 : memref<64x16xf32, #tpu.memory_space<vmem>>[vector<16xi32>, vector<16xi32>], vector<16xf32>,
      %broadcast_in_dim3A_49 = arith.constant 2 : i32
      %broadcast_in_dim3A_50 = vector.broadcast %broadcast_in_dim3A_49 : i32 to vector<16xi32>
      %gather3A_51 = tpu.vector_load_idx %arg10[%add3A_26, %broadcast_in_dim3A_50] : memref<64x16xf32, #tpu.memory_space<vmem>>[vector<16xi32>, vector<16xi32>], vector<16xf32>,
      %add3A_52 = arith.constant 4 : i32
      %add3A_53 = vector.broadcast %add3A_52 : i32 to vector<16xi32>
      %add3A_54 = arith.addi %broadcast_in_dim3A_50, %add3A_53 : vector<16xi32>
      %gather3A_55 = tpu.vector_load_idx %arg11[%add3A_26, %add3A_54] : memref<64x16xf32, #tpu.memory_space<vmem>>[vector<16xi32>, vector<16xi32>], vector<16xf32>,
      %add3A_56 = arith.addf %gather3A_51, %gather3A_55 : vector<16xf32>
      %mul3A_57 = arith.constant 2.000000e-01 : f32
      %mul3A_58 = vector.broadcast %mul3A_57 : f32 to vector<16xf32>
      %mul3A_59 = arith.mulf %mul3A_58, %add3A_56 : vector<16xf32>
      %max3A_60 = arith.maximumf %add3A_56, %mul3A_59 : vector<16xf32>
      %exp3A_61 = math.exp %max3A_60 : vector<16xf32>
      tpu.vector_store_idx %arg14[%add3A_26, %broadcast_in_dim3A_50], %exp3A_61 : memref<64x16xf32, #tpu.memory_space<vmem>>[vector<16xi32>, vector<16xi32>], vector<16xf32>,
      %broadcast_in_dim3A_62 = arith.constant 3 : i32
      %broadcast_in_dim3A_63 = vector.broadcast %broadcast_in_dim3A_62 : i32 to vector<16xi32>
      %gather3A_64 = tpu.vector_load_idx %arg10[%add3A_26, %broadcast_in_dim3A_63] : memref<64x16xf32, #tpu.memory_space<vmem>>[vector<16xi32>, vector<16xi32>], vector<16xf32>,
      %add3A_65 = arith.constant 4 : i32
      %add3A_66 = vector.broadcast %add3A_65 : i32 to vector<16xi32>
      %add3A_67 = arith.addi %broadcast_in_dim3A_63, %add3A_66 : vector<16xi32>
      %gather3A_68 = tpu.vector_load_idx %arg11[%add3A_26, %add3A_67] : memref<64x16xf32, #tpu.memory_space<vmem>>[vector<16xi32>, vector<16xi32>], vector<16xf32>,
      %add3A_69 = arith.addf %gather3A_64, %gather3A_68 : vector<16xf32>
      %mul3A_70 = arith.constant 2.000000e-01 : f32
      %mul3A_71 = vector.broadcast %mul3A_70 : f32 to vector<16xf32>
      %mul3A_72 = arith.mulf %mul3A_71, %add3A_69 : vector<16xf32>
      %max3A_73 = arith.maximumf %add3A_69, %mul3A_72 : vector<16xf32>
      %exp3A_74 = math.exp %max3A_73 : vector<16xf32>
      tpu.vector_store_idx %arg14[%add3A_26, %broadcast_in_dim3A_63], %exp3A_74 : memref<64x16xf32, #tpu.memory_space<vmem>>[vector<16xi32>, vector<16xi32>], vector<16xf32>,
      %add3A_75 = arith.constant 16 : i32
      %add3A_76 = vector.broadcast %add3A_75 : i32 to vector<16xi32>
      %add3A_77 = arith.addi %iota3A, %add3A_76 : vector<16xi32>
      %broadcast_in_dim3A_78 = arith.constant 0 : i32
      %broadcast_in_dim3A_79 = vector.broadcast %broadcast_in_dim3A_78 : i32 to vector<16xi32>
      %gather3A_80 = tpu.vector_load_idx %arg10[%add3A_77, %broadcast_in_dim3A_79] : memref<64x16xf32, #tpu.memory_space<vmem>>[vector<16xi32>, vector<16xi32>], vector<16xf32>,
      %add3A_81 = arith.constant 4 : i32
      %add3A_82 = vector.broadcast %add3A_81 : i32 to vector<16xi32>
      %add3A_83 = arith.addi %broadcast_in_dim3A_79, %add3A_82 : vector<16xi32>
      %gather3A_84 = tpu.vector_load_idx %arg11[%add3A_77, %add3A_83] : memref<64x16xf32, #tpu.memory_space<vmem>>[vector<16xi32>, vector<16xi32>], vector<16xf32>,
      %add3A_85 = arith.addf %gather3A_80, %gather3A_84 : vector<16xf32>
      %mul3A_86 = arith.constant 2.000000e-01 : f32
      %mul3A_87 = vector.broadcast %mul3A_86 : f32 to vector<16xf32>
      %mul3A_88 = arith.mulf %mul3A_87, %add3A_85 : vector<16xf32>
      %max3A_89 = arith.maximumf %add3A_85, %mul3A_88 : vector<16xf32>
      %exp3A_90 = math.exp %max3A_89 : vector<16xf32>
      tpu.vector_store_idx %arg14[%add3A_77, %broadcast_in_dim3A_79], %exp3A_90 : memref<64x16xf32, #tpu.memory_space<vmem>>[vector<16xi32>, vector<16xi32>], vector<16xf32>,
      %broadcast_in_dim3A_91 = arith.constant 1 : i32
      %broadcast_in_dim3A_92 = vector.broadcast %broadcast_in_dim3A_91 : i32 to vector<16xi32>
      %gather3A_93 = tpu.vector_load_idx %arg10[%add3A_77, %broadcast_in_dim3A_92] : memref<64x16xf32, #tpu.memory_space<vmem>>[vector<16xi32>, vector<16xi32>], vector<16xf32>,
      %add3A_94 = arith.constant 4 : i32
      %add3A_95 = vector.broadcast %add3A_94 : i32 to vector<16xi32>
      %add3A_96 = arith.addi %broadcast_in_dim3A_92, %add3A_95 : vector<16xi32>
      %gather3A_97 = tpu.vector_load_idx %arg11[%add3A_77, %add3A_96] : memref<64x16xf32, #tpu.memory_space<vmem>>[vector<16xi32>, vector<16xi32>], vector<16xf32>,
      %add3A_98 = arith.addf %gather3A_93, %gather3A_97 : vector<16xf32>
      %mul3A_99 = arith.constant 2.000000e-01 : f32
      %mul3A_100 = vector.broadcast %mul3A_99 : f32 to vector<16xf32>
      %mul3A_101 = arith.mulf %mul3A_100, %add3A_98 : vector<16xf32>
      %max3A_102 = arith.maximumf %add3A_98, %mul3A_101 : vector<16xf32>
      %exp3A_103 = math.exp %max3A_102 : vector<16xf32>
      tpu.vector_store_idx %arg14[%add3A_77, %broadcast_in_dim3A_92], %exp3A_103 : memref<64x16xf32, #tpu.memory_space<vmem>>[vector<16xi32>, vector<16xi32>], vector<16xf32>,
      %broadcast_in_dim3A_104 = arith.constant 2 : i32
      %broadcast_in_dim3A_105 = vector.broadcast %broadcast_in_dim3A_104 : i32 to vector<16xi32>
      %gather3A_106 = tpu.vector_load_idx %arg10[%add3A_77, %broadcast_in_dim3A_105] : memref<64x16xf32, #tpu.memory_space<vmem>>[vector<16xi32>, vector<16xi32>], vector<16xf32>,
      %add3A_107 = arith.constant 4 : i32
      %add3A_108 = vector.broadcast %add3A_107 : i32 to vector<16xi32>
      %add3A_109 = arith.addi %broadcast_in_dim3A_105, %add3A_108 : vector<16xi32>
      %gather3A_110 = tpu.vector_load_idx %arg11[%add3A_77, %add3A_109] : memref<64x16xf32, #tpu.memory_space<vmem>>[vector<16xi32>, vector<16xi32>], vector<16xf32>,
      %add3A_111 = arith.addf %gather3A_106, %gather3A_110 : vector<16xf32>
      %mul3A_112 = arith.constant 2.000000e-01 : f32
      %mul3A_113 = vector.broadcast %mul3A_112 : f32 to vector<16xf32>
      %mul3A_114 = arith.mulf %mul3A_113, %add3A_111 : vector<16xf32>
      %max3A_115 = arith.maximumf %add3A_111, %mul3A_114 : vector<16xf32>
      %exp3A_116 = math.exp %max3A_115 : vector<16xf32>
      tpu.vector_store_idx %arg14[%add3A_77, %broadcast_in_dim3A_105], %exp3A_116 : memref<64x16xf32, #tpu.memory_space<vmem>>[vector<16xi32>, vector<16xi32>], vector<16xf32>,
      %broadcast_in_dim3A_117 = arith.constant 3 : i32
      %broadcast_in_dim3A_118 = vector.broadcast %broadcast_in_dim3A_117 : i32 to vector<16xi32>
      %gather3A_119 = tpu.vector_load_idx %arg10[%add3A_77, %broadcast_in_dim3A_118] : memref<64x16xf32, #tpu.memory_space<vmem>>[vector<16xi32>, vector<16xi32>], vector<16xf32>,
      %add3A_120 = arith.constant 4 : i32
      %add3A_121 = vector.broadcast %add3A_120 : i32 to vector<16xi32>
      %add3A_122 = arith.addi %broadcast_in_dim3A_118, %add3A_121 : vector<16xi32>
      %gather3A_123 = tpu.vector_load_idx %arg11[%add3A_77, %add3A_122] : memref<64x16xf32, #tpu.memory_space<vmem>>[vector<16xi32>, vector<16xi32>], vector<16xf32>,
      %add3A_124 = arith.addf %gather3A_119, %gather3A_123 : vector<16xf32>
      %mul3A_125 = arith.constant 2.000000e-01 : f32
      %mul3A_126 = vector.broadcast %mul3A_125 : f32 to vector<16xf32>
      %mul3A_127 = arith.mulf %mul3A_126, %add3A_124 : vector<16xf32>
      %max3A_128 = arith.maximumf %add3A_124, %mul3A_127 : vector<16xf32>
      %exp3A_129 = math.exp %max3A_128 : vector<16xf32>
      tpu.vector_store_idx %arg14[%add3A_77, %broadcast_in_dim3A_118], %exp3A_129 : memref<64x16xf32, #tpu.memory_space<vmem>>[vector<16xi32>, vector<16xi32>], vector<16xf32>,
      %add3A_130 = arith.constant 32 : i32
      %add3A_131 = vector.broadcast %add3A_130 : i32 to vector<16xi32>
      %add3A_132 = arith.addi %iota3A, %add3A_131 : vector<16xi32>
      %broadcast_in_dim3A_133 = arith.constant 0 : i32
      %broadcast_in_dim3A_134 = vector.broadcast %broadcast_in_dim3A_133 : i32 to vector<16xi32>
      %gather3A_135 = tpu.vector_load_idx %arg10[%add3A_132, %broadcast_in_dim3A_134] : memref<64x16xf32, #tpu.memory_space<vmem>>[vector<16xi32>, vector<16xi32>], vector<16xf32>,
      %add3A_136 = arith.constant 4 : i32
      %add3A_137 = vector.broadcast %add3A_136 : i32 to vector<16xi32>
      %add3A_138 = arith.addi %broadcast_in_dim3A_134, %add3A_137 : vector<16xi32>
      %gather3A_139 = tpu.vector_load_idx %arg11[%add3A_132, %add3A_138] : memref<64x16xf32, #tpu.memory_space<vmem>>[vector<16xi32>, vector<16xi32>], vector<16xf32>,
      %add3A_140 = arith.addf %gather3A_135, %gather3A_139 : vector<16xf32>
      %mul3A_141 = arith.constant 2.000000e-01 : f32
      %mul3A_142 = vector.broadcast %mul3A_141 : f32 to vector<16xf32>
      %mul3A_143 = arith.mulf %mul3A_142, %add3A_140 : vector<16xf32>
      %max3A_144 = arith.maximumf %add3A_140, %mul3A_143 : vector<16xf32>
      %exp3A_145 = math.exp %max3A_144 : vector<16xf32>
      tpu.vector_store_idx %arg14[%add3A_132, %broadcast_in_dim3A_134], %exp3A_145 : memref<64x16xf32, #tpu.memory_space<vmem>>[vector<16xi32>, vector<16xi32>], vector<16xf32>,
      %broadcast_in_dim3A_146 = arith.constant 1 : i32
      %broadcast_in_dim3A_147 = vector.broadcast %broadcast_in_dim3A_146 : i32 to vector<16xi32>
      %gather3A_148 = tpu.vector_load_idx %arg10[%add3A_132, %broadcast_in_dim3A_147] : memref<64x16xf32, #tpu.memory_space<vmem>>[vector<16xi32>, vector<16xi32>], vector<16xf32>,
      %add3A_149 = arith.constant 4 : i32
      %add3A_150 = vector.broadcast %add3A_149 : i32 to vector<16xi32>
      %add3A_151 = arith.addi %broadcast_in_dim3A_147, %add3A_150 : vector<16xi32>
      %gather3A_152 = tpu.vector_load_idx %arg11[%add3A_132, %add3A_151] : memref<64x16xf32, #tpu.memory_space<vmem>>[vector<16xi32>, vector<16xi32>], vector<16xf32>,
      %add3A_153 = arith.addf %gather3A_148, %gather3A_152 : vector<16xf32>
      %mul3A_154 = arith.constant 2.000000e-01 : f32
      %mul3A_155 = vector.broadcast %mul3A_154 : f32 to vector<16xf32>
      %mul3A_156 = arith.mulf %mul3A_155, %add3A_153 : vector<16xf32>
      %max3A_157 = arith.maximumf %add3A_153, %mul3A_156 : vector<16xf32>
      %exp3A_158 = math.exp %max3A_157 : vector<16xf32>
      tpu.vector_store_idx %arg14[%add3A_132, %broadcast_in_dim3A_147], %exp3A_158 : memref<64x16xf32, #tpu.memory_space<vmem>>[vector<16xi32>, vector<16xi32>], vector<16xf32>,
      %broadcast_in_dim3A_159 = arith.constant 2 : i32
      %broadcast_in_dim3A_160 = vector.broadcast %broadcast_in_dim3A_159 : i32 to vector<16xi32>
      %gather3A_161 = tpu.vector_load_idx %arg10[%add3A_132, %broadcast_in_dim3A_160] : memref<64x16xf32, #tpu.memory_space<vmem>>[vector<16xi32>, vector<16xi32>], vector<16xf32>,
      %add3A_162 = arith.constant 4 : i32
      %add3A_163 = vector.broadcast %add3A_162 : i32 to vector<16xi32>
      %add3A_164 = arith.addi %broadcast_in_dim3A_160, %add3A_163 : vector<16xi32>
      %gather3A_165 = tpu.vector_load_idx %arg11[%add3A_132, %add3A_164] : memref<64x16xf32, #tpu.memory_space<vmem>>[vector<16xi32>, vector<16xi32>], vector<16xf32>,
      %add3A_166 = arith.addf %gather3A_161, %gather3A_165 : vector<16xf32>
      %mul3A_167 = arith.constant 2.000000e-01 : f32
      %mul3A_168 = vector.broadcast %mul3A_167 : f32 to vector<16xf32>
      %mul3A_169 = arith.mulf %mul3A_168, %add3A_166 : vector<16xf32>
      %max3A_170 = arith.maximumf %add3A_166, %mul3A_169 : vector<16xf32>
      %exp3A_171 = math.exp %max3A_170 : vector<16xf32>
      tpu.vector_store_idx %arg14[%add3A_132, %broadcast_in_dim3A_160], %exp3A_171 : memref<64x16xf32, #tpu.memory_space<vmem>>[vector<16xi32>, vector<16xi32>], vector<16xf32>,
      %broadcast_in_dim3A_172 = arith.constant 3 : i32
      %broadcast_in_dim3A_173 = vector.broadcast %broadcast_in_dim3A_172 : i32 to vector<16xi32>
      %gather3A_174 = tpu.vector_load_idx %arg10[%add3A_132, %broadcast_in_dim3A_173] : memref<64x16xf32, #tpu.memory_space<vmem>>[vector<16xi32>, vector<16xi32>], vector<16xf32>,
      %add3A_175 = arith.constant 4 : i32
      %add3A_176 = vector.broadcast %add3A_175 : i32 to vector<16xi32>
      %add3A_177 = arith.addi %broadcast_in_dim3A_173, %add3A_176 : vector<16xi32>
      %gather3A_178 = tpu.vector_load_idx %arg11[%add3A_132, %add3A_177] : memref<64x16xf32, #tpu.memory_space<vmem>>[vector<16xi32>, vector<16xi32>], vector<16xf32>,
      %add3A_179 = arith.addf %gather3A_174, %gather3A_178 : vector<16xf32>
      %mul3A_180 = arith.constant 2.000000e-01 : f32
      %mul3A_181 = vector.broadcast %mul3A_180 : f32 to vector<16xf32>
      %mul3A_182 = arith.mulf %mul3A_181, %add3A_179 : vector<16xf32>
      %max3A_183 = arith.maximumf %add3A_179, %mul3A_182 : vector<16xf32>
      %exp3A_184 = math.exp %max3A_183 : vector<16xf32>
      tpu.vector_store_idx %arg14[%add3A_132, %broadcast_in_dim3A_173], %exp3A_184 : memref<64x16xf32, #tpu.memory_space<vmem>>[vector<16xi32>, vector<16xi32>], vector<16xf32>,
      %add3A_185 = arith.constant 48 : i32
      %add3A_186 = vector.broadcast %add3A_185 : i32 to vector<16xi32>
      %add3A_187 = arith.addi %iota3A, %add3A_186 : vector<16xi32>
      %broadcast_in_dim3A_188 = arith.constant 0 : i32
      %broadcast_in_dim3A_189 = vector.broadcast %broadcast_in_dim3A_188 : i32 to vector<16xi32>
      %gather3A_190 = tpu.vector_load_idx %arg10[%add3A_187, %broadcast_in_dim3A_189] : memref<64x16xf32, #tpu.memory_space<vmem>>[vector<16xi32>, vector<16xi32>], vector<16xf32>,
      %add3A_191 = arith.constant 4 : i32
      %add3A_192 = vector.broadcast %add3A_191 : i32 to vector<16xi32>
      %add3A_193 = arith.addi %broadcast_in_dim3A_189, %add3A_192 : vector<16xi32>
      %gather3A_194 = tpu.vector_load_idx %arg11[%add3A_187, %add3A_193] : memref<64x16xf32, #tpu.memory_space<vmem>>[vector<16xi32>, vector<16xi32>], vector<16xf32>,
      %add3A_195 = arith.addf %gather3A_190, %gather3A_194 : vector<16xf32>
      %mul3A_196 = arith.constant 2.000000e-01 : f32
      %mul3A_197 = vector.broadcast %mul3A_196 : f32 to vector<16xf32>
      %mul3A_198 = arith.mulf %mul3A_197, %add3A_195 : vector<16xf32>
      %max3A_199 = arith.maximumf %add3A_195, %mul3A_198 : vector<16xf32>
      %exp3A_200 = math.exp %max3A_199 : vector<16xf32>
      tpu.vector_store_idx %arg14[%add3A_187, %broadcast_in_dim3A_189], %exp3A_200 : memref<64x16xf32, #tpu.memory_space<vmem>>[vector<16xi32>, vector<16xi32>], vector<16xf32>,
      %broadcast_in_dim3A_201 = arith.constant 1 : i32
      %broadcast_in_dim3A_202 = vector.broadcast %broadcast_in_dim3A_201 : i32 to vector<16xi32>
      %gather3A_203 = tpu.vector_load_idx %arg10[%add3A_187, %broadcast_in_dim3A_202] : memref<64x16xf32, #tpu.memory_space<vmem>>[vector<16xi32>, vector<16xi32>], vector<16xf32>,
      %add3A_204 = arith.constant 4 : i32
      %add3A_205 = vector.broadcast %add3A_204 : i32 to vector<16xi32>
      %add3A_206 = arith.addi %broadcast_in_dim3A_202, %add3A_205 : vector<16xi32>
      %gather3A_207 = tpu.vector_load_idx %arg11[%add3A_187, %add3A_206] : memref<64x16xf32, #tpu.memory_space<vmem>>[vector<16xi32>, vector<16xi32>], vector<16xf32>,
      %add3A_208 = arith.addf %gather3A_203, %gather3A_207 : vector<16xf32>
      %mul3A_209 = arith.constant 2.000000e-01 : f32
      %mul3A_210 = vector.broadcast %mul3A_209 : f32 to vector<16xf32>
      %mul3A_211 = arith.mulf %mul3A_210, %add3A_208 : vector<16xf32>
      %max3A_212 = arith.maximumf %add3A_208, %mul3A_211 : vector<16xf32>
      %exp3A_213 = math.exp %max3A_212 : vector<16xf32>
      tpu.vector_store_idx %arg14[%add3A_187, %broadcast_in_dim3A_202], %exp3A_213 : memref<64x16xf32, #tpu.memory_space<vmem>>[vector<16xi32>, vector<16xi32>], vector<16xf32>,
      %broadcast_in_dim3A_214 = arith.constant 2 : i32
      %broadcast_in_dim3A_215 = vector.broadcast %broadcast_in_dim3A_214 : i32 to vector<16xi32>
      %gather3A_216 = tpu.vector_load_idx %arg10[%add3A_187, %broadcast_in_dim3A_215] : memref<64x16xf32, #tpu.memory_space<vmem>>[vector<16xi32>, vector<16xi32>], vector<16xf32>,
      %add3A_217 = arith.constant 4 : i32
      %add3A_218 = vector.broadcast %add3A_217 : i32 to vector<16xi32>
      %add3A_219 = arith.addi %broadcast_in_dim3A_215, %add3A_218 : vector<16xi32>
      %gather3A_220 = tpu.vector_load_idx %arg11[%add3A_187, %add3A_219] : memref<64x16xf32, #tpu.memory_space<vmem>>[vector<16xi32>, vector<16xi32>], vector<16xf32>,
      %add3A_221 = arith.addf %gather3A_216, %gather3A_220 : vector<16xf32>
      %mul3A_222 = arith.constant 2.000000e-01 : f32
      %mul3A_223 = vector.broadcast %mul3A_222 : f32 to vector<16xf32>
      %mul3A_224 = arith.mulf %mul3A_223, %add3A_221 : vector<16xf32>
      %max3A_225 = arith.maximumf %add3A_221, %mul3A_224 : vector<16xf32>
      %exp3A_226 = math.exp %max3A_225 : vector<16xf32>
      tpu.vector_store_idx %arg14[%add3A_187, %broadcast_in_dim3A_215], %exp3A_226 : memref<64x16xf32, #tpu.memory_space<vmem>>[vector<16xi32>, vector<16xi32>], vector<16xf32>,
      %broadcast_in_dim3A_227 = arith.constant 3 : i32
      %broadcast_in_dim3A_228 = vector.broadcast %broadcast_in_dim3A_227 : i32 to vector<16xi32>
      %gather3A_229 = tpu.vector_load_idx %arg10[%add3A_187, %broadcast_in_dim3A_228] : memref<64x16xf32, #tpu.memory_space<vmem>>[vector<16xi32>, vector<16xi32>], vector<16xf32>,
      %add3A_230 = arith.constant 4 : i32
      %add3A_231 = vector.broadcast %add3A_230 : i32 to vector<16xi32>
      %add3A_232 = arith.addi %broadcast_in_dim3A_228, %add3A_231 : vector<16xi32>
      %gather3A_233 = tpu.vector_load_idx %arg11[%add3A_187, %add3A_232] : memref<64x16xf32, #tpu.memory_space<vmem>>[vector<16xi32>, vector<16xi32>], vector<16xf32>,
      %add3A_234 = arith.addf %gather3A_229, %gather3A_233 : vector<16xf32>
      %mul3A_235 = arith.constant 2.000000e-01 : f32
      %mul3A_236 = vector.broadcast %mul3A_235 : f32 to vector<16xf32>
      %mul3A_237 = arith.mulf %mul3A_236, %add3A_234 : vector<16xf32>
      %max3A_238 = arith.maximumf %add3A_234, %mul3A_237 : vector<16xf32>
      %exp3A_239 = math.exp %max3A_238 : vector<16xf32>
      tpu.vector_store_idx %arg14[%add3A_187, %broadcast_in_dim3A_228], %exp3A_239 : memref<64x16xf32, #tpu.memory_space<vmem>>[vector<16xi32>, vector<16xi32>], vector<16xf32>,
      %scan3A_240 = arith.constant 0 : i32
      %scan3A_241 = arith.constant 0 : i32
      %scan3A_242 = arith.constant 64 : i32
      %scan3A_243 = arith.addi %scan3A_241, %scan3A_242 : i32
      %scan3A_244 = arith.constant 1 : i32
      scf.for %scan3A_246 = %scan3A_241 to %scan3A_243 step %scan3A_244  : i32 {
        %get3A = arith.index_cast %scan3A_246 : i32 to index
        %get3A_247 = arith.constant 0 : index
        %get3A_248 = tpu.vector_load %arg14[%get3A, %get3A_247] {strides = array<i32>} : memref<64x16xf32, #tpu.memory_space<vmem>>, vector<16xf32>,
        %swap3A = arith.index_cast %scan3A_246 : i32 to index
        %swap3A_249 = arith.constant 128 : index
        %swap3A_250 = tpu.vector_load %arg13[%swap3A, %swap3A_249] {strides = array<i32>} : memref<64x144xf32, #tpu.memory_space<vmem>>, vector<16xf32>,
        tpu.vector_store %arg13[%swap3A, %swap3A_249], %get3A_248 {strides = array<i32>} : memref<64x144xf32, #tpu.memory_space<vmem>>, vector<16xf32>,
        %slice3A = vector.extract_strided_slice %get3A_248 {offsets = [0], sizes = [1], strides = [1]} : vector<16xf32> to vector<1xf32>
        %squeeze3A = vector.extract %slice3A[0] : f32 from vector<1xf32>
        %broadcast_in_dim3A_251 = vector.broadcast %squeeze3A : f32 to vector<16xf32>
        %get3A_252 = arith.index_cast %scan3A_246 : i32 to index
        %get3A_253 = arith.constant 0 : index
        %get3A_254 = tpu.vector_load %arg12[%get3A_252, %get3A_253] {strides = array<i32>} : memref<64x128xf32, #tpu.memory_space<vmem>>, vector<16xf32>,
        %mul3A_255 = arith.mulf %get3A_254, %broadcast_in_dim3A_251 : vector<16xf32>
        %swap3A_256 = arith.index_cast %scan3A_246 : i32 to index
        %swap3A_257 = arith.constant 0 : index
        %swap3A_258 = tpu.vector_load %arg13[%swap3A_256, %swap3A_257] {strides = array<i32>} : memref<64x144xf32, #tpu.memory_space<vmem>>, vector<16xf32>,
        tpu.vector_store %arg13[%swap3A_256, %swap3A_257], %mul3A_255 {strides = array<i32>} : memref<64x144xf32, #tpu.memory_space<vmem>>, vector<16xf32>,
        %get3A_259 = arith.index_cast %scan3A_246 : i32 to index
        %get3A_260 = arith.constant 16 : index
        %get3A_261 = tpu.vector_load %arg12[%get3A_259, %get3A_260] {strides = array<i32>} : memref<64x128xf32, #tpu.memory_space<vmem>>, vector<16xf32>,
        %mul3A_262 = arith.mulf %get3A_261, %broadcast_in_dim3A_251 : vector<16xf32>
        %swap3A_263 = arith.index_cast %scan3A_246 : i32 to index
        %swap3A_264 = arith.constant 16 : index
        %swap3A_265 = tpu.vector_load %arg13[%swap3A_263, %swap3A_264] {strides = array<i32>} : memref<64x144xf32, #tpu.memory_space<vmem>>, vector<16xf32>,
        tpu.vector_store %arg13[%swap3A_263, %swap3A_264], %mul3A_262 {strides = array<i32>} : memref<64x144xf32, #tpu.memory_space<vmem>>, vector<16xf32>,
        %slice3A_266 = vector.extract_strided_slice %get3A_248 {offsets = [1], sizes = [1], strides = [1]} : vector<16xf32> to vector<1xf32>
        %squeeze3A_267 = vector.extract %slice3A_266[0] : f32 from vector<1xf32>
        %broadcast_in_dim3A_268 = vector.broadcast %squeeze3A_267 : f32 to vector<16xf32>
        %get3A_269 = arith.index_cast %scan3A_246 : i32 to index
        %get3A_270 = arith.constant 32 : index
        %get3A_271 = tpu.vector_load %arg12[%get3A_269, %get3A_270] {strides = array<i32>} : memref<64x128xf32, #tpu.memory_space<vmem>>, vector<16xf32>,
        %mul3A_272 = arith.mulf %get3A_271, %broadcast_in_dim3A_268 : vector<16xf32>
        %swap3A_273 = arith.index_cast %scan3A_246 : i32 to index
        %swap3A_274 = arith.constant 32 : index
        %swap3A_275 = tpu.vector_load %arg13[%swap3A_273, %swap3A_274] {strides = array<i32>} : memref<64x144xf32, #tpu.memory_space<vmem>>, vector<16xf32>,
        tpu.vector_store %arg13[%swap3A_273, %swap3A_274], %mul3A_272 {strides = array<i32>} : memref<64x144xf32, #tpu.memory_space<vmem>>, vector<16xf32>,
        %get3A_276 = arith.index_cast %scan3A_246 : i32 to index
        %get3A_277 = arith.constant 48 : index
        %get3A_278 = tpu.vector_load %arg12[%get3A_276, %get3A_277] {strides = array<i32>} : memref<64x128xf32, #tpu.memory_space<vmem>>, vector<16xf32>,
        %mul3A_279 = arith.mulf %get3A_278, %broadcast_in_dim3A_268 : vector<16xf32>
        %swap3A_280 = arith.index_cast %scan3A_246 : i32 to index
        %swap3A_281 = arith.constant 48 : index
        %swap3A_282 = tpu.vector_load %arg13[%swap3A_280, %swap3A_281] {strides = array<i32>} : memref<64x144xf32, #tpu.memory_space<vmem>>, vector<16xf32>,
        tpu.vector_store %arg13[%swap3A_280, %swap3A_281], %mul3A_279 {strides = array<i32>} : memref<64x144xf32, #tpu.memory_space<vmem>>, vector<16xf32>,
        %slice3A_283 = vector.extract_strided_slice %get3A_248 {offsets = [2], sizes = [1], strides = [1]} : vector<16xf32> to vector<1xf32>
        %squeeze3A_284 = vector.extract %slice3A_283[0] : f32 from vector<1xf32>
        %broadcast_in_dim3A_285 = vector.broadcast %squeeze3A_284 : f32 to vector<16xf32>
        %get3A_286 = arith.index_cast %scan3A_246 : i32 to index
        %get3A_287 = arith.constant 64 : index
        %get3A_288 = tpu.vector_load %arg12[%get3A_286, %get3A_287] {strides = array<i32>} : memref<64x128xf32, #tpu.memory_space<vmem>>, vector<16xf32>,
        %mul3A_289 = arith.mulf %get3A_288, %broadcast_in_dim3A_285 : vector<16xf32>
        %swap3A_290 = arith.index_cast %scan3A_246 : i32 to index
        %swap3A_291 = arith.constant 64 : index
        %swap3A_292 = tpu.vector_load %arg13[%swap3A_290, %swap3A_291] {strides = array<i32>} : memref<64x144xf32, #tpu.memory_space<vmem>>, vector<16xf32>,
        tpu.vector_store %arg13[%swap3A_290, %swap3A_291], %mul3A_289 {strides = array<i32>} : memref<64x144xf32, #tpu.memory_space<vmem>>, vector<16xf32>,
        %get3A_293 = arith.index_cast %scan3A_246 : i32 to index
        %get3A_294 = arith.constant 80 : index
        %get3A_295 = tpu.vector_load %arg12[%get3A_293, %get3A_294] {strides = array<i32>} : memref<64x128xf32, #tpu.memory_space<vmem>>, vector<16xf32>,
        %mul3A_296 = arith.mulf %get3A_295, %broadcast_in_dim3A_285 : vector<16xf32>
        %swap3A_297 = arith.index_cast %scan3A_246 : i32 to index
        %swap3A_298 = arith.constant 80 : index
        %swap3A_299 = tpu.vector_load %arg13[%swap3A_297, %swap3A_298] {strides = array<i32>} : memref<64x144xf32, #tpu.memory_space<vmem>>, vector<16xf32>,
        tpu.vector_store %arg13[%swap3A_297, %swap3A_298], %mul3A_296 {strides = array<i32>} : memref<64x144xf32, #tpu.memory_space<vmem>>, vector<16xf32>,
        %slice3A_300 = vector.extract_strided_slice %get3A_248 {offsets = [3], sizes = [1], strides = [1]} : vector<16xf32> to vector<1xf32>
        %squeeze3A_301 = vector.extract %slice3A_300[0] : f32 from vector<1xf32>
        %broadcast_in_dim3A_302 = vector.broadcast %squeeze3A_301 : f32 to vector<16xf32>
        %get3A_303 = arith.index_cast %scan3A_246 : i32 to index
        %get3A_304 = arith.constant 96 : index
        %get3A_305 = tpu.vector_load %arg12[%get3A_303, %get3A_304] {strides = array<i32>} : memref<64x128xf32, #tpu.memory_space<vmem>>, vector<16xf32>,
        %mul3A_306 = arith.mulf %get3A_305, %broadcast_in_dim3A_302 : vector<16xf32>
        %swap3A_307 = arith.index_cast %scan3A_246 : i32 to index
        %swap3A_308 = arith.constant 96 : index
        %swap3A_309 = tpu.vector_load %arg13[%swap3A_307, %swap3A_308] {strides = array<i32>} : memref<64x144xf32, #tpu.memory_space<vmem>>, vector<16xf32>,
        tpu.vector_store %arg13[%swap3A_307, %swap3A_308], %mul3A_306 {strides = array<i32>} : memref<64x144xf32, #tpu.memory_space<vmem>>, vector<16xf32>,
        %get3A_310 = arith.index_cast %scan3A_246 : i32 to index
        %get3A_311 = arith.constant 112 : index
        %get3A_312 = tpu.vector_load %arg12[%get3A_310, %get3A_311] {strides = array<i32>} : memref<64x128xf32, #tpu.memory_space<vmem>>, vector<16xf32>,
        %mul3A_313 = arith.mulf %get3A_312, %broadcast_in_dim3A_302 : vector<16xf32>
        %swap3A_314 = arith.index_cast %scan3A_246 : i32 to index
        %swap3A_315 = arith.constant 112 : index
        %swap3A_316 = tpu.vector_load %arg13[%swap3A_314, %swap3A_315] {strides = array<i32>} : memref<64x144xf32, #tpu.memory_space<vmem>>, vector<16xf32>,
        tpu.vector_store %arg13[%swap3A_314, %swap3A_315], %mul3A_313 {strides = array<i32>} : memref<64x144xf32, #tpu.memory_space<vmem>>, vector<16xf32>,
      }
      %scan3A_245 = arith.constant 64 : i32
      "tpu.region"() ({
        %run_scoped3A = tpu.sem_alloc : memref<!tpu.dma_semaphore, #tpu.memory_space<semaphore_mem>>
        %dma_start3A = arith.constant 0 : i32
        %dma_start3A_246 = arith.constant 0 : i32
        %dma_start3A_247 = tpu.memref_slice %arg15[%dma_start3A, %dma_start3A_246] : memref<10112x144xf32, #tpu.memory_space<vmem_shared>> -> memref<10112x144xf32, #tpu.memory_space<vmem_shared>>
        tpu.enqueue_indirect_dma source(%arg13 : memref<64x144xf32, #tpu.memory_space<vmem>>) target(%dma_start3A_247 : memref<10112x144xf32, #tpu.memory_space<vmem_shared>>) offsets(%arg9 : memref<64xi32, #tpu.memory_space<vmem>>) semaphore(%run_scoped3A : memref<!tpu.dma_semaphore, #tpu.memory_space<semaphore_mem>>) {add = true}
        %dma_wait3A = arith.constant 0 : i32
        %dma_wait3A_248 = arith.constant 0 : i32
        %dma_wait3A_249 = tpu.memref_slice %arg15[%dma_wait3A, %dma_wait3A_248] : memref<10112x144xf32, #tpu.memory_space<vmem_shared>> -> memref<10112x144xf32, #tpu.memory_space<vmem_shared>>
        tpu.wait_indirect_dma semaphore(%run_scoped3A : memref<!tpu.dma_semaphore, #tpu.memory_space<semaphore_mem>>) src(%arg13 : memref<64x144xf32, #tpu.memory_space<vmem>>) dst(%dma_wait3A_249 : memref<10112x144xf32, #tpu.memory_space<vmem_shared>>)
        tpu.yield
      }) : () -> ()
    }
    %scan3A_15 = arith.constant 157 : i32
    %barrier3A_16 = arith.constant 0 : index
    tpu.barrier barrier_id(%barrier3A_16)
    %mul3A_17 = arith.constant 10112 : i32
    %mul3A_18 = arith.muli %arg0, %mul3A_17 : i32
    %add3A_19 = arith.addi %mul3A_18, %mul3A_7 : i32
    "tpu.region"() ({
      %run_scoped3A = tpu.sem_alloc : memref<!tpu.dma_semaphore, #tpu.memory_space<semaphore_mem>>
      %dma_start3A = arith.constant 0 : i32
      %dma_start3A_20 = tpu.memref_slice %arg7[%add3A_19, %dma_start3A] : memref<20224x144xf32, #tpu.memory_space<hbm>> -> memref<632x144xf32, #tpu.memory_space<hbm>>
      %dma_start3A_21 = arith.constant 0 : i32
      %dma_start3A_22 = tpu.memref_slice %arg15[%mul3A_7, %dma_start3A_21] : memref<10112x144xf32, #tpu.memory_space<vmem_shared>> -> memref<632x144xf32, #tpu.memory_space<vmem_shared>>
      tpu.enqueue_dma source(%dma_start3A_22 : memref<632x144xf32, #tpu.memory_space<vmem_shared>>) target(%dma_start3A_20 : memref<632x144xf32, #tpu.memory_space<hbm>>) target_semaphore(%run_scoped3A : memref<!tpu.dma_semaphore, #tpu.memory_space<semaphore_mem>>)
      %dma_wait3A = arith.constant 0 : i32
      %dma_wait3A_23 = tpu.memref_slice %arg7[%add3A_19, %dma_wait3A] : memref<20224x144xf32, #tpu.memory_space<hbm>> -> memref<632x144xf32, #tpu.memory_space<hbm>>
      %dma_wait3A_24 = arith.constant 0 : i32
      %dma_wait3A_25 = tpu.memref_slice %arg15[%mul3A_7, %dma_wait3A_24] : memref<10112x144xf32, #tpu.memory_space<vmem_shared>> -> memref<632x144xf32, #tpu.memory_space<vmem_shared>>
      tpu.wait_dma2 semaphore(%run_scoped3A : memref<!tpu.dma_semaphore, #tpu.memory_space<semaphore_mem>>) src(%dma_wait3A_25 : memref<632x144xf32, #tpu.memory_space<vmem_shared>>) dst(%dma_wait3A_23 : memref<632x144xf32, #tpu.memory_space<hbm>>)
      tpu.yield
    }) : () -> ()
    return
  }
}

#map = affine_map<(d0, d1) -> (0, 0)>
#map1 = affine_map<(d0, d1) -> (0)>
module attributes {stable_mosaic.version = 14 : i64} {
  func.func @sc_edge(%arg0: i32, %arg1: i32, %arg2: memref<10112x64xf32, #tpu.memory_space<hbm>>, %arg3: memref<10112x16xf32, #tpu.memory_space<hbm>>, %arg4: memref<321536xi32, #tpu.memory_space<hbm>>, %arg5: memref<321536xi32, #tpu.memory_space<hbm>>, %arg6: memref<10112x80xf32, #tpu.memory_space<hbm>>, %arg7: memref<20224x80xf32, #tpu.memory_space<hbm>>, %arg8: memref<64xi32, #tpu.memory_space<vmem>>, %arg9: memref<64xi32, #tpu.memory_space<vmem>>, %arg10: memref<64x16xf32, #tpu.memory_space<vmem>>, %arg11: memref<64x16xf32, #tpu.memory_space<vmem>>, %arg12: memref<64x64xf32, #tpu.memory_space<vmem>>, %arg13: memref<64x80xf32, #tpu.memory_space<vmem>>, %arg14: memref<64x16xf32, #tpu.memory_space<vmem>>, %arg15: memref<10112x80xf32, #tpu.memory_space<vmem_shared>>) attributes {dimension_semantics = [#tpu.dimension_semantics<core_parallel>, #tpu.dimension_semantics<subcore_parallel>], iteration_bounds = array<i64: 2, 16>, scalar_prefetch = 0 : i64, scratch_operands = 8 : i64, tpu.core_type = #tpu.core_type<sc_vector_subcore>, window_params = [{transform_indices = #map}, {transform_indices = #map}, {transform_indices = #map1}, {transform_indices = #map1}, {transform_indices = #map}, {transform_indices = #map}]} {
    %mul3A = arith.constant 2 : i32
    %mul3A_0 = arith.muli %arg1, %mul3A : i32
    %add3A = arith.addi %mul3A_0, %arg0 : i32
    %scan3A = arith.constant 0 : i32
    %scan3A_1 = arith.constant 0 : i32
    %scan3A_2 = arith.constant 64 : i32
    %scan3A_3 = arith.addi %scan3A_1, %scan3A_2 : i32
    %scan3A_4 = arith.constant 1 : i32
    scf.for %scan3A_20 = %scan3A_1 to %scan3A_3 step %scan3A_4  : i32 {
      %broadcast_in_dim3A = arith.constant 0.000000e+00 : f32
      %broadcast_in_dim3A_21 = vector.broadcast %broadcast_in_dim3A : f32 to vector<16xf32>
      %swap3A = arith.index_cast %scan3A_20 : i32 to index
      %swap3A_22 = arith.constant 0 : index
      %swap3A_23 = tpu.vector_load %arg14[%swap3A, %swap3A_22] {strides = array<i32>} : memref<64x16xf32, #tpu.memory_space<vmem>>, vector<16xf32>,
      tpu.vector_store %arg14[%swap3A, %swap3A_22], %broadcast_in_dim3A_21 {strides = array<i32>} : memref<64x16xf32, #tpu.memory_space<vmem>>, vector<16xf32>,
    }
    %scan3A_5 = arith.constant 64 : i32
    %mul3A_6 = arith.constant 632 : i32
    %mul3A_7 = arith.muli %arg1, %mul3A_6 : i32
    "tpu.region"() ({
      %run_scoped3A = tpu.sem_alloc : memref<!tpu.dma_semaphore, #tpu.memory_space<semaphore_mem>>
      %dma_start3A = arith.constant 0 : i32
      %dma_start3A_20 = tpu.memref_slice %arg15[%mul3A_7, %dma_start3A] : memref<10112x80xf32, #tpu.memory_space<vmem_shared>> -> memref<632x80xf32, #tpu.memory_space<vmem_shared>>
      %dma_start3A_21 = arith.constant 0 : i32
      %dma_start3A_22 = tpu.memref_slice %arg6[%mul3A_7, %dma_start3A_21] : memref<10112x80xf32, #tpu.memory_space<hbm>> -> memref<632x80xf32, #tpu.memory_space<hbm>>
      tpu.enqueue_dma source(%dma_start3A_22 : memref<632x80xf32, #tpu.memory_space<hbm>>) target(%dma_start3A_20 : memref<632x80xf32, #tpu.memory_space<vmem_shared>>) target_semaphore(%run_scoped3A : memref<!tpu.dma_semaphore, #tpu.memory_space<semaphore_mem>>)
      %dma_wait3A = arith.constant 0 : i32
      %dma_wait3A_23 = tpu.memref_slice %arg15[%mul3A_7, %dma_wait3A] : memref<10112x80xf32, #tpu.memory_space<vmem_shared>> -> memref<632x80xf32, #tpu.memory_space<vmem_shared>>
      %dma_wait3A_24 = arith.constant 0 : i32
      %dma_wait3A_25 = tpu.memref_slice %arg6[%mul3A_7, %dma_wait3A_24] : memref<10112x80xf32, #tpu.memory_space<hbm>> -> memref<632x80xf32, #tpu.memory_space<hbm>>
      tpu.wait_dma2 semaphore(%run_scoped3A : memref<!tpu.dma_semaphore, #tpu.memory_space<semaphore_mem>>) src(%dma_wait3A_25 : memref<632x80xf32, #tpu.memory_space<hbm>>) dst(%dma_wait3A_23 : memref<632x80xf32, #tpu.memory_space<vmem_shared>>)
      tpu.yield
    }) : () -> ()
    %barrier3A = arith.constant 0 : index
    tpu.barrier barrier_id(%barrier3A)
    %mul3A_8 = arith.constant 10048 : i32
    %mul3A_9 = arith.muli %add3A, %mul3A_8 : i32
    %iota3A = tpu.iota {dimensions = array<i32: 0>} : vector<16xi32>
    %scan3A_10 = arith.constant 0 : i32
    %scan3A_11 = arith.constant 0 : i32
    %scan3A_12 = arith.constant 157 : i32
    %scan3A_13 = arith.addi %scan3A_11, %scan3A_12 : i32
    %scan3A_14 = arith.constant 1 : i32
    scf.for %scan3A_20 = %scan3A_11 to %scan3A_13 step %scan3A_14  : i32 {
      %mul3A_21 = arith.constant 64 : i32
      %mul3A_22 = arith.muli %scan3A_20, %mul3A_21 : i32
      %add3A_23 = arith.addi %mul3A_9, %mul3A_22 : i32
      "tpu.region"() ({
        %run_scoped3A = tpu.sem_alloc : memref<!tpu.dma_semaphore, #tpu.memory_space<semaphore_mem>>
        %dma_start3A = tpu.memref_slice %arg4[%add3A_23] : memref<321536xi32, #tpu.memory_space<hbm>> -> memref<64xi32, #tpu.memory_space<hbm>>
        %dma_start3A_246 = tpu.memref_slice %arg4[%add3A_23] : memref<321536xi32, #tpu.memory_space<hbm>> -> memref<64xi32, #tpu.memory_space<hbm>>
        tpu.enqueue_dma source(%dma_start3A_246 : memref<64xi32, #tpu.memory_space<hbm>>) target(%arg8 : memref<64xi32, #tpu.memory_space<vmem>>) target_semaphore(%run_scoped3A : memref<!tpu.dma_semaphore, #tpu.memory_space<semaphore_mem>>)
        %dma_wait3A = tpu.memref_slice %arg4[%add3A_23] : memref<321536xi32, #tpu.memory_space<hbm>> -> memref<64xi32, #tpu.memory_space<hbm>>
        %dma_wait3A_247 = tpu.memref_slice %arg4[%add3A_23] : memref<321536xi32, #tpu.memory_space<hbm>> -> memref<64xi32, #tpu.memory_space<hbm>>
        tpu.wait_dma2 semaphore(%run_scoped3A : memref<!tpu.dma_semaphore, #tpu.memory_space<semaphore_mem>>) src(%dma_wait3A_247 : memref<64xi32, #tpu.memory_space<hbm>>) dst(%arg8 : memref<64xi32, #tpu.memory_space<vmem>>)
        tpu.yield
      }) : () -> ()
      "tpu.region"() ({
        %run_scoped3A = tpu.sem_alloc : memref<!tpu.dma_semaphore, #tpu.memory_space<semaphore_mem>>
        %dma_start3A = tpu.memref_slice %arg5[%add3A_23] : memref<321536xi32, #tpu.memory_space<hbm>> -> memref<64xi32, #tpu.memory_space<hbm>>
        %dma_start3A_246 = tpu.memref_slice %arg5[%add3A_23] : memref<321536xi32, #tpu.memory_space<hbm>> -> memref<64xi32, #tpu.memory_space<hbm>>
        tpu.enqueue_dma source(%dma_start3A_246 : memref<64xi32, #tpu.memory_space<hbm>>) target(%arg9 : memref<64xi32, #tpu.memory_space<vmem>>) target_semaphore(%run_scoped3A : memref<!tpu.dma_semaphore, #tpu.memory_space<semaphore_mem>>)
        %dma_wait3A = tpu.memref_slice %arg5[%add3A_23] : memref<321536xi32, #tpu.memory_space<hbm>> -> memref<64xi32, #tpu.memory_space<hbm>>
        %dma_wait3A_247 = tpu.memref_slice %arg5[%add3A_23] : memref<321536xi32, #tpu.memory_space<hbm>> -> memref<64xi32, #tpu.memory_space<hbm>>
        tpu.wait_dma2 semaphore(%run_scoped3A : memref<!tpu.dma_semaphore, #tpu.memory_space<semaphore_mem>>) src(%dma_wait3A_247 : memref<64xi32, #tpu.memory_space<hbm>>) dst(%arg9 : memref<64xi32, #tpu.memory_space<vmem>>)
        tpu.yield
      }) : () -> ()
      "tpu.region"() ({
        %run_scoped3A = tpu.sem_alloc : memref<!tpu.dma_semaphore, #tpu.memory_space<semaphore_mem>>
        %dma_start3A = arith.constant 0 : i32
        %dma_start3A_246 = arith.constant 0 : i32
        %dma_start3A_247 = tpu.memref_slice %arg3[%dma_start3A, %dma_start3A_246] : memref<10112x16xf32, #tpu.memory_space<hbm>> -> memref<10112x16xf32, #tpu.memory_space<hbm>>
        tpu.enqueue_indirect_dma source(%dma_start3A_247 : memref<10112x16xf32, #tpu.memory_space<hbm>>) target(%arg10 : memref<64x16xf32, #tpu.memory_space<vmem>>) offsets(%arg8 : memref<64xi32, #tpu.memory_space<vmem>>) semaphore(%run_scoped3A : memref<!tpu.dma_semaphore, #tpu.memory_space<semaphore_mem>>)
        %dma_wait3A = arith.constant 0 : i32
        %dma_wait3A_248 = arith.constant 0 : i32
        %dma_wait3A_249 = tpu.memref_slice %arg3[%dma_wait3A, %dma_wait3A_248] : memref<10112x16xf32, #tpu.memory_space<hbm>> -> memref<10112x16xf32, #tpu.memory_space<hbm>>
        tpu.wait_indirect_dma semaphore(%run_scoped3A : memref<!tpu.dma_semaphore, #tpu.memory_space<semaphore_mem>>) src(%dma_wait3A_249 : memref<10112x16xf32, #tpu.memory_space<hbm>>) dst(%arg10 : memref<64x16xf32, #tpu.memory_space<vmem>>)
        tpu.yield
      }) : () -> ()
      "tpu.region"() ({
        %run_scoped3A = tpu.sem_alloc : memref<!tpu.dma_semaphore, #tpu.memory_space<semaphore_mem>>
        %dma_start3A = arith.constant 0 : i32
        %dma_start3A_246 = arith.constant 0 : i32
        %dma_start3A_247 = tpu.memref_slice %arg3[%dma_start3A, %dma_start3A_246] : memref<10112x16xf32, #tpu.memory_space<hbm>> -> memref<10112x16xf32, #tpu.memory_space<hbm>>
        tpu.enqueue_indirect_dma source(%dma_start3A_247 : memref<10112x16xf32, #tpu.memory_space<hbm>>) target(%arg11 : memref<64x16xf32, #tpu.memory_space<vmem>>) offsets(%arg9 : memref<64xi32, #tpu.memory_space<vmem>>) semaphore(%run_scoped3A : memref<!tpu.dma_semaphore, #tpu.memory_space<semaphore_mem>>)
        %dma_wait3A = arith.constant 0 : i32
        %dma_wait3A_248 = arith.constant 0 : i32
        %dma_wait3A_249 = tpu.memref_slice %arg3[%dma_wait3A, %dma_wait3A_248] : memref<10112x16xf32, #tpu.memory_space<hbm>> -> memref<10112x16xf32, #tpu.memory_space<hbm>>
        tpu.wait_indirect_dma semaphore(%run_scoped3A : memref<!tpu.dma_semaphore, #tpu.memory_space<semaphore_mem>>) src(%dma_wait3A_249 : memref<10112x16xf32, #tpu.memory_space<hbm>>) dst(%arg11 : memref<64x16xf32, #tpu.memory_space<vmem>>)
        tpu.yield
      }) : () -> ()
      "tpu.region"() ({
        %run_scoped3A = tpu.sem_alloc : memref<!tpu.dma_semaphore, #tpu.memory_space<semaphore_mem>>
        %dma_start3A = arith.constant 0 : i32
        %dma_start3A_246 = arith.constant 0 : i32
        %dma_start3A_247 = tpu.memref_slice %arg2[%dma_start3A, %dma_start3A_246] : memref<10112x64xf32, #tpu.memory_space<hbm>> -> memref<10112x64xf32, #tpu.memory_space<hbm>>
        tpu.enqueue_indirect_dma source(%dma_start3A_247 : memref<10112x64xf32, #tpu.memory_space<hbm>>) target(%arg12 : memref<64x64xf32, #tpu.memory_space<vmem>>) offsets(%arg8 : memref<64xi32, #tpu.memory_space<vmem>>) semaphore(%run_scoped3A : memref<!tpu.dma_semaphore, #tpu.memory_space<semaphore_mem>>)
        %dma_wait3A = arith.constant 0 : i32
        %dma_wait3A_248 = arith.constant 0 : i32
        %dma_wait3A_249 = tpu.memref_slice %arg2[%dma_wait3A, %dma_wait3A_248] : memref<10112x64xf32, #tpu.memory_space<hbm>> -> memref<10112x64xf32, #tpu.memory_space<hbm>>
        tpu.wait_indirect_dma semaphore(%run_scoped3A : memref<!tpu.dma_semaphore, #tpu.memory_space<semaphore_mem>>) src(%dma_wait3A_249 : memref<10112x64xf32, #tpu.memory_space<hbm>>) dst(%arg12 : memref<64x64xf32, #tpu.memory_space<vmem>>)
        tpu.yield
      }) : () -> ()
      %add3A_24 = arith.constant 0 : i32
      %add3A_25 = vector.broadcast %add3A_24 : i32 to vector<16xi32>
      %add3A_26 = arith.addi %iota3A, %add3A_25 : vector<16xi32>
      %broadcast_in_dim3A = arith.constant 0 : i32
      %broadcast_in_dim3A_27 = vector.broadcast %broadcast_in_dim3A : i32 to vector<16xi32>
      %gather3A = tpu.vector_load_idx %arg10[%add3A_26, %broadcast_in_dim3A_27] : memref<64x16xf32, #tpu.memory_space<vmem>>[vector<16xi32>, vector<16xi32>], vector<16xf32>,
      %add3A_28 = arith.constant 4 : i32
      %add3A_29 = vector.broadcast %add3A_28 : i32 to vector<16xi32>
      %add3A_30 = arith.addi %broadcast_in_dim3A_27, %add3A_29 : vector<16xi32>
      %gather3A_31 = tpu.vector_load_idx %arg11[%add3A_26, %add3A_30] : memref<64x16xf32, #tpu.memory_space<vmem>>[vector<16xi32>, vector<16xi32>], vector<16xf32>,
      %add3A_32 = arith.addf %gather3A, %gather3A_31 : vector<16xf32>
      %mul3A_33 = arith.constant 2.000000e-01 : f32
      %mul3A_34 = vector.broadcast %mul3A_33 : f32 to vector<16xf32>
      %mul3A_35 = arith.mulf %mul3A_34, %add3A_32 : vector<16xf32>
      %max3A = arith.maximumf %add3A_32, %mul3A_35 : vector<16xf32>
      %exp3A = math.exp %max3A : vector<16xf32>
      tpu.vector_store_idx %arg14[%add3A_26, %broadcast_in_dim3A_27], %exp3A : memref<64x16xf32, #tpu.memory_space<vmem>>[vector<16xi32>, vector<16xi32>], vector<16xf32>,
      %broadcast_in_dim3A_36 = arith.constant 1 : i32
      %broadcast_in_dim3A_37 = vector.broadcast %broadcast_in_dim3A_36 : i32 to vector<16xi32>
      %gather3A_38 = tpu.vector_load_idx %arg10[%add3A_26, %broadcast_in_dim3A_37] : memref<64x16xf32, #tpu.memory_space<vmem>>[vector<16xi32>, vector<16xi32>], vector<16xf32>,
      %add3A_39 = arith.constant 4 : i32
      %add3A_40 = vector.broadcast %add3A_39 : i32 to vector<16xi32>
      %add3A_41 = arith.addi %broadcast_in_dim3A_37, %add3A_40 : vector<16xi32>
      %gather3A_42 = tpu.vector_load_idx %arg11[%add3A_26, %add3A_41] : memref<64x16xf32, #tpu.memory_space<vmem>>[vector<16xi32>, vector<16xi32>], vector<16xf32>,
      %add3A_43 = arith.addf %gather3A_38, %gather3A_42 : vector<16xf32>
      %mul3A_44 = arith.constant 2.000000e-01 : f32
      %mul3A_45 = vector.broadcast %mul3A_44 : f32 to vector<16xf32>
      %mul3A_46 = arith.mulf %mul3A_45, %add3A_43 : vector<16xf32>
      %max3A_47 = arith.maximumf %add3A_43, %mul3A_46 : vector<16xf32>
      %exp3A_48 = math.exp %max3A_47 : vector<16xf32>
      tpu.vector_store_idx %arg14[%add3A_26, %broadcast_in_dim3A_37], %exp3A_48 : memref<64x16xf32, #tpu.memory_space<vmem>>[vector<16xi32>, vector<16xi32>], vector<16xf32>,
      %broadcast_in_dim3A_49 = arith.constant 2 : i32
      %broadcast_in_dim3A_50 = vector.broadcast %broadcast_in_dim3A_49 : i32 to vector<16xi32>
      %gather3A_51 = tpu.vector_load_idx %arg10[%add3A_26, %broadcast_in_dim3A_50] : memref<64x16xf32, #tpu.memory_space<vmem>>[vector<16xi32>, vector<16xi32>], vector<16xf32>,
      %add3A_52 = arith.constant 4 : i32
      %add3A_53 = vector.broadcast %add3A_52 : i32 to vector<16xi32>
      %add3A_54 = arith.addi %broadcast_in_dim3A_50, %add3A_53 : vector<16xi32>
      %gather3A_55 = tpu.vector_load_idx %arg11[%add3A_26, %add3A_54] : memref<64x16xf32, #tpu.memory_space<vmem>>[vector<16xi32>, vector<16xi32>], vector<16xf32>,
      %add3A_56 = arith.addf %gather3A_51, %gather3A_55 : vector<16xf32>
      %mul3A_57 = arith.constant 2.000000e-01 : f32
      %mul3A_58 = vector.broadcast %mul3A_57 : f32 to vector<16xf32>
      %mul3A_59 = arith.mulf %mul3A_58, %add3A_56 : vector<16xf32>
      %max3A_60 = arith.maximumf %add3A_56, %mul3A_59 : vector<16xf32>
      %exp3A_61 = math.exp %max3A_60 : vector<16xf32>
      tpu.vector_store_idx %arg14[%add3A_26, %broadcast_in_dim3A_50], %exp3A_61 : memref<64x16xf32, #tpu.memory_space<vmem>>[vector<16xi32>, vector<16xi32>], vector<16xf32>,
      %broadcast_in_dim3A_62 = arith.constant 3 : i32
      %broadcast_in_dim3A_63 = vector.broadcast %broadcast_in_dim3A_62 : i32 to vector<16xi32>
      %gather3A_64 = tpu.vector_load_idx %arg10[%add3A_26, %broadcast_in_dim3A_63] : memref<64x16xf32, #tpu.memory_space<vmem>>[vector<16xi32>, vector<16xi32>], vector<16xf32>,
      %add3A_65 = arith.constant 4 : i32
      %add3A_66 = vector.broadcast %add3A_65 : i32 to vector<16xi32>
      %add3A_67 = arith.addi %broadcast_in_dim3A_63, %add3A_66 : vector<16xi32>
      %gather3A_68 = tpu.vector_load_idx %arg11[%add3A_26, %add3A_67] : memref<64x16xf32, #tpu.memory_space<vmem>>[vector<16xi32>, vector<16xi32>], vector<16xf32>,
      %add3A_69 = arith.addf %gather3A_64, %gather3A_68 : vector<16xf32>
      %mul3A_70 = arith.constant 2.000000e-01 : f32
      %mul3A_71 = vector.broadcast %mul3A_70 : f32 to vector<16xf32>
      %mul3A_72 = arith.mulf %mul3A_71, %add3A_69 : vector<16xf32>
      %max3A_73 = arith.maximumf %add3A_69, %mul3A_72 : vector<16xf32>
      %exp3A_74 = math.exp %max3A_73 : vector<16xf32>
      tpu.vector_store_idx %arg14[%add3A_26, %broadcast_in_dim3A_63], %exp3A_74 : memref<64x16xf32, #tpu.memory_space<vmem>>[vector<16xi32>, vector<16xi32>], vector<16xf32>,
      %add3A_75 = arith.constant 16 : i32
      %add3A_76 = vector.broadcast %add3A_75 : i32 to vector<16xi32>
      %add3A_77 = arith.addi %iota3A, %add3A_76 : vector<16xi32>
      %broadcast_in_dim3A_78 = arith.constant 0 : i32
      %broadcast_in_dim3A_79 = vector.broadcast %broadcast_in_dim3A_78 : i32 to vector<16xi32>
      %gather3A_80 = tpu.vector_load_idx %arg10[%add3A_77, %broadcast_in_dim3A_79] : memref<64x16xf32, #tpu.memory_space<vmem>>[vector<16xi32>, vector<16xi32>], vector<16xf32>,
      %add3A_81 = arith.constant 4 : i32
      %add3A_82 = vector.broadcast %add3A_81 : i32 to vector<16xi32>
      %add3A_83 = arith.addi %broadcast_in_dim3A_79, %add3A_82 : vector<16xi32>
      %gather3A_84 = tpu.vector_load_idx %arg11[%add3A_77, %add3A_83] : memref<64x16xf32, #tpu.memory_space<vmem>>[vector<16xi32>, vector<16xi32>], vector<16xf32>,
      %add3A_85 = arith.addf %gather3A_80, %gather3A_84 : vector<16xf32>
      %mul3A_86 = arith.constant 2.000000e-01 : f32
      %mul3A_87 = vector.broadcast %mul3A_86 : f32 to vector<16xf32>
      %mul3A_88 = arith.mulf %mul3A_87, %add3A_85 : vector<16xf32>
      %max3A_89 = arith.maximumf %add3A_85, %mul3A_88 : vector<16xf32>
      %exp3A_90 = math.exp %max3A_89 : vector<16xf32>
      tpu.vector_store_idx %arg14[%add3A_77, %broadcast_in_dim3A_79], %exp3A_90 : memref<64x16xf32, #tpu.memory_space<vmem>>[vector<16xi32>, vector<16xi32>], vector<16xf32>,
      %broadcast_in_dim3A_91 = arith.constant 1 : i32
      %broadcast_in_dim3A_92 = vector.broadcast %broadcast_in_dim3A_91 : i32 to vector<16xi32>
      %gather3A_93 = tpu.vector_load_idx %arg10[%add3A_77, %broadcast_in_dim3A_92] : memref<64x16xf32, #tpu.memory_space<vmem>>[vector<16xi32>, vector<16xi32>], vector<16xf32>,
      %add3A_94 = arith.constant 4 : i32
      %add3A_95 = vector.broadcast %add3A_94 : i32 to vector<16xi32>
      %add3A_96 = arith.addi %broadcast_in_dim3A_92, %add3A_95 : vector<16xi32>
      %gather3A_97 = tpu.vector_load_idx %arg11[%add3A_77, %add3A_96] : memref<64x16xf32, #tpu.memory_space<vmem>>[vector<16xi32>, vector<16xi32>], vector<16xf32>,
      %add3A_98 = arith.addf %gather3A_93, %gather3A_97 : vector<16xf32>
      %mul3A_99 = arith.constant 2.000000e-01 : f32
      %mul3A_100 = vector.broadcast %mul3A_99 : f32 to vector<16xf32>
      %mul3A_101 = arith.mulf %mul3A_100, %add3A_98 : vector<16xf32>
      %max3A_102 = arith.maximumf %add3A_98, %mul3A_101 : vector<16xf32>
      %exp3A_103 = math.exp %max3A_102 : vector<16xf32>
      tpu.vector_store_idx %arg14[%add3A_77, %broadcast_in_dim3A_92], %exp3A_103 : memref<64x16xf32, #tpu.memory_space<vmem>>[vector<16xi32>, vector<16xi32>], vector<16xf32>,
      %broadcast_in_dim3A_104 = arith.constant 2 : i32
      %broadcast_in_dim3A_105 = vector.broadcast %broadcast_in_dim3A_104 : i32 to vector<16xi32>
      %gather3A_106 = tpu.vector_load_idx %arg10[%add3A_77, %broadcast_in_dim3A_105] : memref<64x16xf32, #tpu.memory_space<vmem>>[vector<16xi32>, vector<16xi32>], vector<16xf32>,
      %add3A_107 = arith.constant 4 : i32
      %add3A_108 = vector.broadcast %add3A_107 : i32 to vector<16xi32>
      %add3A_109 = arith.addi %broadcast_in_dim3A_105, %add3A_108 : vector<16xi32>
      %gather3A_110 = tpu.vector_load_idx %arg11[%add3A_77, %add3A_109] : memref<64x16xf32, #tpu.memory_space<vmem>>[vector<16xi32>, vector<16xi32>], vector<16xf32>,
      %add3A_111 = arith.addf %gather3A_106, %gather3A_110 : vector<16xf32>
      %mul3A_112 = arith.constant 2.000000e-01 : f32
      %mul3A_113 = vector.broadcast %mul3A_112 : f32 to vector<16xf32>
      %mul3A_114 = arith.mulf %mul3A_113, %add3A_111 : vector<16xf32>
      %max3A_115 = arith.maximumf %add3A_111, %mul3A_114 : vector<16xf32>
      %exp3A_116 = math.exp %max3A_115 : vector<16xf32>
      tpu.vector_store_idx %arg14[%add3A_77, %broadcast_in_dim3A_105], %exp3A_116 : memref<64x16xf32, #tpu.memory_space<vmem>>[vector<16xi32>, vector<16xi32>], vector<16xf32>,
      %broadcast_in_dim3A_117 = arith.constant 3 : i32
      %broadcast_in_dim3A_118 = vector.broadcast %broadcast_in_dim3A_117 : i32 to vector<16xi32>
      %gather3A_119 = tpu.vector_load_idx %arg10[%add3A_77, %broadcast_in_dim3A_118] : memref<64x16xf32, #tpu.memory_space<vmem>>[vector<16xi32>, vector<16xi32>], vector<16xf32>,
      %add3A_120 = arith.constant 4 : i32
      %add3A_121 = vector.broadcast %add3A_120 : i32 to vector<16xi32>
      %add3A_122 = arith.addi %broadcast_in_dim3A_118, %add3A_121 : vector<16xi32>
      %gather3A_123 = tpu.vector_load_idx %arg11[%add3A_77, %add3A_122] : memref<64x16xf32, #tpu.memory_space<vmem>>[vector<16xi32>, vector<16xi32>], vector<16xf32>,
      %add3A_124 = arith.addf %gather3A_119, %gather3A_123 : vector<16xf32>
      %mul3A_125 = arith.constant 2.000000e-01 : f32
      %mul3A_126 = vector.broadcast %mul3A_125 : f32 to vector<16xf32>
      %mul3A_127 = arith.mulf %mul3A_126, %add3A_124 : vector<16xf32>
      %max3A_128 = arith.maximumf %add3A_124, %mul3A_127 : vector<16xf32>
      %exp3A_129 = math.exp %max3A_128 : vector<16xf32>
      tpu.vector_store_idx %arg14[%add3A_77, %broadcast_in_dim3A_118], %exp3A_129 : memref<64x16xf32, #tpu.memory_space<vmem>>[vector<16xi32>, vector<16xi32>], vector<16xf32>,
      %add3A_130 = arith.constant 32 : i32
      %add3A_131 = vector.broadcast %add3A_130 : i32 to vector<16xi32>
      %add3A_132 = arith.addi %iota3A, %add3A_131 : vector<16xi32>
      %broadcast_in_dim3A_133 = arith.constant 0 : i32
      %broadcast_in_dim3A_134 = vector.broadcast %broadcast_in_dim3A_133 : i32 to vector<16xi32>
      %gather3A_135 = tpu.vector_load_idx %arg10[%add3A_132, %broadcast_in_dim3A_134] : memref<64x16xf32, #tpu.memory_space<vmem>>[vector<16xi32>, vector<16xi32>], vector<16xf32>,
      %add3A_136 = arith.constant 4 : i32
      %add3A_137 = vector.broadcast %add3A_136 : i32 to vector<16xi32>
      %add3A_138 = arith.addi %broadcast_in_dim3A_134, %add3A_137 : vector<16xi32>
      %gather3A_139 = tpu.vector_load_idx %arg11[%add3A_132, %add3A_138] : memref<64x16xf32, #tpu.memory_space<vmem>>[vector<16xi32>, vector<16xi32>], vector<16xf32>,
      %add3A_140 = arith.addf %gather3A_135, %gather3A_139 : vector<16xf32>
      %mul3A_141 = arith.constant 2.000000e-01 : f32
      %mul3A_142 = vector.broadcast %mul3A_141 : f32 to vector<16xf32>
      %mul3A_143 = arith.mulf %mul3A_142, %add3A_140 : vector<16xf32>
      %max3A_144 = arith.maximumf %add3A_140, %mul3A_143 : vector<16xf32>
      %exp3A_145 = math.exp %max3A_144 : vector<16xf32>
      tpu.vector_store_idx %arg14[%add3A_132, %broadcast_in_dim3A_134], %exp3A_145 : memref<64x16xf32, #tpu.memory_space<vmem>>[vector<16xi32>, vector<16xi32>], vector<16xf32>,
      %broadcast_in_dim3A_146 = arith.constant 1 : i32
      %broadcast_in_dim3A_147 = vector.broadcast %broadcast_in_dim3A_146 : i32 to vector<16xi32>
      %gather3A_148 = tpu.vector_load_idx %arg10[%add3A_132, %broadcast_in_dim3A_147] : memref<64x16xf32, #tpu.memory_space<vmem>>[vector<16xi32>, vector<16xi32>], vector<16xf32>,
      %add3A_149 = arith.constant 4 : i32
      %add3A_150 = vector.broadcast %add3A_149 : i32 to vector<16xi32>
      %add3A_151 = arith.addi %broadcast_in_dim3A_147, %add3A_150 : vector<16xi32>
      %gather3A_152 = tpu.vector_load_idx %arg11[%add3A_132, %add3A_151] : memref<64x16xf32, #tpu.memory_space<vmem>>[vector<16xi32>, vector<16xi32>], vector<16xf32>,
      %add3A_153 = arith.addf %gather3A_148, %gather3A_152 : vector<16xf32>
      %mul3A_154 = arith.constant 2.000000e-01 : f32
      %mul3A_155 = vector.broadcast %mul3A_154 : f32 to vector<16xf32>
      %mul3A_156 = arith.mulf %mul3A_155, %add3A_153 : vector<16xf32>
      %max3A_157 = arith.maximumf %add3A_153, %mul3A_156 : vector<16xf32>
      %exp3A_158 = math.exp %max3A_157 : vector<16xf32>
      tpu.vector_store_idx %arg14[%add3A_132, %broadcast_in_dim3A_147], %exp3A_158 : memref<64x16xf32, #tpu.memory_space<vmem>>[vector<16xi32>, vector<16xi32>], vector<16xf32>,
      %broadcast_in_dim3A_159 = arith.constant 2 : i32
      %broadcast_in_dim3A_160 = vector.broadcast %broadcast_in_dim3A_159 : i32 to vector<16xi32>
      %gather3A_161 = tpu.vector_load_idx %arg10[%add3A_132, %broadcast_in_dim3A_160] : memref<64x16xf32, #tpu.memory_space<vmem>>[vector<16xi32>, vector<16xi32>], vector<16xf32>,
      %add3A_162 = arith.constant 4 : i32
      %add3A_163 = vector.broadcast %add3A_162 : i32 to vector<16xi32>
      %add3A_164 = arith.addi %broadcast_in_dim3A_160, %add3A_163 : vector<16xi32>
      %gather3A_165 = tpu.vector_load_idx %arg11[%add3A_132, %add3A_164] : memref<64x16xf32, #tpu.memory_space<vmem>>[vector<16xi32>, vector<16xi32>], vector<16xf32>,
      %add3A_166 = arith.addf %gather3A_161, %gather3A_165 : vector<16xf32>
      %mul3A_167 = arith.constant 2.000000e-01 : f32
      %mul3A_168 = vector.broadcast %mul3A_167 : f32 to vector<16xf32>
      %mul3A_169 = arith.mulf %mul3A_168, %add3A_166 : vector<16xf32>
      %max3A_170 = arith.maximumf %add3A_166, %mul3A_169 : vector<16xf32>
      %exp3A_171 = math.exp %max3A_170 : vector<16xf32>
      tpu.vector_store_idx %arg14[%add3A_132, %broadcast_in_dim3A_160], %exp3A_171 : memref<64x16xf32, #tpu.memory_space<vmem>>[vector<16xi32>, vector<16xi32>], vector<16xf32>,
      %broadcast_in_dim3A_172 = arith.constant 3 : i32
      %broadcast_in_dim3A_173 = vector.broadcast %broadcast_in_dim3A_172 : i32 to vector<16xi32>
      %gather3A_174 = tpu.vector_load_idx %arg10[%add3A_132, %broadcast_in_dim3A_173] : memref<64x16xf32, #tpu.memory_space<vmem>>[vector<16xi32>, vector<16xi32>], vector<16xf32>,
      %add3A_175 = arith.constant 4 : i32
      %add3A_176 = vector.broadcast %add3A_175 : i32 to vector<16xi32>
      %add3A_177 = arith.addi %broadcast_in_dim3A_173, %add3A_176 : vector<16xi32>
      %gather3A_178 = tpu.vector_load_idx %arg11[%add3A_132, %add3A_177] : memref<64x16xf32, #tpu.memory_space<vmem>>[vector<16xi32>, vector<16xi32>], vector<16xf32>,
      %add3A_179 = arith.addf %gather3A_174, %gather3A_178 : vector<16xf32>
      %mul3A_180 = arith.constant 2.000000e-01 : f32
      %mul3A_181 = vector.broadcast %mul3A_180 : f32 to vector<16xf32>
      %mul3A_182 = arith.mulf %mul3A_181, %add3A_179 : vector<16xf32>
      %max3A_183 = arith.maximumf %add3A_179, %mul3A_182 : vector<16xf32>
      %exp3A_184 = math.exp %max3A_183 : vector<16xf32>
      tpu.vector_store_idx %arg14[%add3A_132, %broadcast_in_dim3A_173], %exp3A_184 : memref<64x16xf32, #tpu.memory_space<vmem>>[vector<16xi32>, vector<16xi32>], vector<16xf32>,
      %add3A_185 = arith.constant 48 : i32
      %add3A_186 = vector.broadcast %add3A_185 : i32 to vector<16xi32>
      %add3A_187 = arith.addi %iota3A, %add3A_186 : vector<16xi32>
      %broadcast_in_dim3A_188 = arith.constant 0 : i32
      %broadcast_in_dim3A_189 = vector.broadcast %broadcast_in_dim3A_188 : i32 to vector<16xi32>
      %gather3A_190 = tpu.vector_load_idx %arg10[%add3A_187, %broadcast_in_dim3A_189] : memref<64x16xf32, #tpu.memory_space<vmem>>[vector<16xi32>, vector<16xi32>], vector<16xf32>,
      %add3A_191 = arith.constant 4 : i32
      %add3A_192 = vector.broadcast %add3A_191 : i32 to vector<16xi32>
      %add3A_193 = arith.addi %broadcast_in_dim3A_189, %add3A_192 : vector<16xi32>
      %gather3A_194 = tpu.vector_load_idx %arg11[%add3A_187, %add3A_193] : memref<64x16xf32, #tpu.memory_space<vmem>>[vector<16xi32>, vector<16xi32>], vector<16xf32>,
      %add3A_195 = arith.addf %gather3A_190, %gather3A_194 : vector<16xf32>
      %mul3A_196 = arith.constant 2.000000e-01 : f32
      %mul3A_197 = vector.broadcast %mul3A_196 : f32 to vector<16xf32>
      %mul3A_198 = arith.mulf %mul3A_197, %add3A_195 : vector<16xf32>
      %max3A_199 = arith.maximumf %add3A_195, %mul3A_198 : vector<16xf32>
      %exp3A_200 = math.exp %max3A_199 : vector<16xf32>
      tpu.vector_store_idx %arg14[%add3A_187, %broadcast_in_dim3A_189], %exp3A_200 : memref<64x16xf32, #tpu.memory_space<vmem>>[vector<16xi32>, vector<16xi32>], vector<16xf32>,
      %broadcast_in_dim3A_201 = arith.constant 1 : i32
      %broadcast_in_dim3A_202 = vector.broadcast %broadcast_in_dim3A_201 : i32 to vector<16xi32>
      %gather3A_203 = tpu.vector_load_idx %arg10[%add3A_187, %broadcast_in_dim3A_202] : memref<64x16xf32, #tpu.memory_space<vmem>>[vector<16xi32>, vector<16xi32>], vector<16xf32>,
      %add3A_204 = arith.constant 4 : i32
      %add3A_205 = vector.broadcast %add3A_204 : i32 to vector<16xi32>
      %add3A_206 = arith.addi %broadcast_in_dim3A_202, %add3A_205 : vector<16xi32>
      %gather3A_207 = tpu.vector_load_idx %arg11[%add3A_187, %add3A_206] : memref<64x16xf32, #tpu.memory_space<vmem>>[vector<16xi32>, vector<16xi32>], vector<16xf32>,
      %add3A_208 = arith.addf %gather3A_203, %gather3A_207 : vector<16xf32>
      %mul3A_209 = arith.constant 2.000000e-01 : f32
      %mul3A_210 = vector.broadcast %mul3A_209 : f32 to vector<16xf32>
      %mul3A_211 = arith.mulf %mul3A_210, %add3A_208 : vector<16xf32>
      %max3A_212 = arith.maximumf %add3A_208, %mul3A_211 : vector<16xf32>
      %exp3A_213 = math.exp %max3A_212 : vector<16xf32>
      tpu.vector_store_idx %arg14[%add3A_187, %broadcast_in_dim3A_202], %exp3A_213 : memref<64x16xf32, #tpu.memory_space<vmem>>[vector<16xi32>, vector<16xi32>], vector<16xf32>,
      %broadcast_in_dim3A_214 = arith.constant 2 : i32
      %broadcast_in_dim3A_215 = vector.broadcast %broadcast_in_dim3A_214 : i32 to vector<16xi32>
      %gather3A_216 = tpu.vector_load_idx %arg10[%add3A_187, %broadcast_in_dim3A_215] : memref<64x16xf32, #tpu.memory_space<vmem>>[vector<16xi32>, vector<16xi32>], vector<16xf32>,
      %add3A_217 = arith.constant 4 : i32
      %add3A_218 = vector.broadcast %add3A_217 : i32 to vector<16xi32>
      %add3A_219 = arith.addi %broadcast_in_dim3A_215, %add3A_218 : vector<16xi32>
      %gather3A_220 = tpu.vector_load_idx %arg11[%add3A_187, %add3A_219] : memref<64x16xf32, #tpu.memory_space<vmem>>[vector<16xi32>, vector<16xi32>], vector<16xf32>,
      %add3A_221 = arith.addf %gather3A_216, %gather3A_220 : vector<16xf32>
      %mul3A_222 = arith.constant 2.000000e-01 : f32
      %mul3A_223 = vector.broadcast %mul3A_222 : f32 to vector<16xf32>
      %mul3A_224 = arith.mulf %mul3A_223, %add3A_221 : vector<16xf32>
      %max3A_225 = arith.maximumf %add3A_221, %mul3A_224 : vector<16xf32>
      %exp3A_226 = math.exp %max3A_225 : vector<16xf32>
      tpu.vector_store_idx %arg14[%add3A_187, %broadcast_in_dim3A_215], %exp3A_226 : memref<64x16xf32, #tpu.memory_space<vmem>>[vector<16xi32>, vector<16xi32>], vector<16xf32>,
      %broadcast_in_dim3A_227 = arith.constant 3 : i32
      %broadcast_in_dim3A_228 = vector.broadcast %broadcast_in_dim3A_227 : i32 to vector<16xi32>
      %gather3A_229 = tpu.vector_load_idx %arg10[%add3A_187, %broadcast_in_dim3A_228] : memref<64x16xf32, #tpu.memory_space<vmem>>[vector<16xi32>, vector<16xi32>], vector<16xf32>,
      %add3A_230 = arith.constant 4 : i32
      %add3A_231 = vector.broadcast %add3A_230 : i32 to vector<16xi32>
      %add3A_232 = arith.addi %broadcast_in_dim3A_228, %add3A_231 : vector<16xi32>
      %gather3A_233 = tpu.vector_load_idx %arg11[%add3A_187, %add3A_232] : memref<64x16xf32, #tpu.memory_space<vmem>>[vector<16xi32>, vector<16xi32>], vector<16xf32>,
      %add3A_234 = arith.addf %gather3A_229, %gather3A_233 : vector<16xf32>
      %mul3A_235 = arith.constant 2.000000e-01 : f32
      %mul3A_236 = vector.broadcast %mul3A_235 : f32 to vector<16xf32>
      %mul3A_237 = arith.mulf %mul3A_236, %add3A_234 : vector<16xf32>
      %max3A_238 = arith.maximumf %add3A_234, %mul3A_237 : vector<16xf32>
      %exp3A_239 = math.exp %max3A_238 : vector<16xf32>
      tpu.vector_store_idx %arg14[%add3A_187, %broadcast_in_dim3A_228], %exp3A_239 : memref<64x16xf32, #tpu.memory_space<vmem>>[vector<16xi32>, vector<16xi32>], vector<16xf32>,
      %scan3A_240 = arith.constant 0 : i32
      %scan3A_241 = arith.constant 0 : i32
      %scan3A_242 = arith.constant 64 : i32
      %scan3A_243 = arith.addi %scan3A_241, %scan3A_242 : i32
      %scan3A_244 = arith.constant 1 : i32
      scf.for %scan3A_246 = %scan3A_241 to %scan3A_243 step %scan3A_244  : i32 {
        %get3A = arith.index_cast %scan3A_246 : i32 to index
        %get3A_247 = arith.constant 0 : index
        %get3A_248 = tpu.vector_load %arg14[%get3A, %get3A_247] {strides = array<i32>} : memref<64x16xf32, #tpu.memory_space<vmem>>, vector<16xf32>,
        %swap3A = arith.index_cast %scan3A_246 : i32 to index
        %swap3A_249 = arith.constant 64 : index
        %swap3A_250 = tpu.vector_load %arg13[%swap3A, %swap3A_249] {strides = array<i32>} : memref<64x80xf32, #tpu.memory_space<vmem>>, vector<16xf32>,
        tpu.vector_store %arg13[%swap3A, %swap3A_249], %get3A_248 {strides = array<i32>} : memref<64x80xf32, #tpu.memory_space<vmem>>, vector<16xf32>,
        %slice3A = vector.extract_strided_slice %get3A_248 {offsets = [0], sizes = [1], strides = [1]} : vector<16xf32> to vector<1xf32>
        %squeeze3A = vector.extract %slice3A[0] : f32 from vector<1xf32>
        %broadcast_in_dim3A_251 = vector.broadcast %squeeze3A : f32 to vector<16xf32>
        %get3A_252 = arith.index_cast %scan3A_246 : i32 to index
        %get3A_253 = arith.constant 0 : index
        %get3A_254 = tpu.vector_load %arg12[%get3A_252, %get3A_253] {strides = array<i32>} : memref<64x64xf32, #tpu.memory_space<vmem>>, vector<16xf32>,
        %mul3A_255 = arith.mulf %get3A_254, %broadcast_in_dim3A_251 : vector<16xf32>
        %swap3A_256 = arith.index_cast %scan3A_246 : i32 to index
        %swap3A_257 = arith.constant 0 : index
        %swap3A_258 = tpu.vector_load %arg13[%swap3A_256, %swap3A_257] {strides = array<i32>} : memref<64x80xf32, #tpu.memory_space<vmem>>, vector<16xf32>,
        tpu.vector_store %arg13[%swap3A_256, %swap3A_257], %mul3A_255 {strides = array<i32>} : memref<64x80xf32, #tpu.memory_space<vmem>>, vector<16xf32>,
        %slice3A_259 = vector.extract_strided_slice %get3A_248 {offsets = [1], sizes = [1], strides = [1]} : vector<16xf32> to vector<1xf32>
        %squeeze3A_260 = vector.extract %slice3A_259[0] : f32 from vector<1xf32>
        %broadcast_in_dim3A_261 = vector.broadcast %squeeze3A_260 : f32 to vector<16xf32>
        %get3A_262 = arith.index_cast %scan3A_246 : i32 to index
        %get3A_263 = arith.constant 16 : index
        %get3A_264 = tpu.vector_load %arg12[%get3A_262, %get3A_263] {strides = array<i32>} : memref<64x64xf32, #tpu.memory_space<vmem>>, vector<16xf32>,
        %mul3A_265 = arith.mulf %get3A_264, %broadcast_in_dim3A_261 : vector<16xf32>
        %swap3A_266 = arith.index_cast %scan3A_246 : i32 to index
        %swap3A_267 = arith.constant 16 : index
        %swap3A_268 = tpu.vector_load %arg13[%swap3A_266, %swap3A_267] {strides = array<i32>} : memref<64x80xf32, #tpu.memory_space<vmem>>, vector<16xf32>,
        tpu.vector_store %arg13[%swap3A_266, %swap3A_267], %mul3A_265 {strides = array<i32>} : memref<64x80xf32, #tpu.memory_space<vmem>>, vector<16xf32>,
        %slice3A_269 = vector.extract_strided_slice %get3A_248 {offsets = [2], sizes = [1], strides = [1]} : vector<16xf32> to vector<1xf32>
        %squeeze3A_270 = vector.extract %slice3A_269[0] : f32 from vector<1xf32>
        %broadcast_in_dim3A_271 = vector.broadcast %squeeze3A_270 : f32 to vector<16xf32>
        %get3A_272 = arith.index_cast %scan3A_246 : i32 to index
        %get3A_273 = arith.constant 32 : index
        %get3A_274 = tpu.vector_load %arg12[%get3A_272, %get3A_273] {strides = array<i32>} : memref<64x64xf32, #tpu.memory_space<vmem>>, vector<16xf32>,
        %mul3A_275 = arith.mulf %get3A_274, %broadcast_in_dim3A_271 : vector<16xf32>
        %swap3A_276 = arith.index_cast %scan3A_246 : i32 to index
        %swap3A_277 = arith.constant 32 : index
        %swap3A_278 = tpu.vector_load %arg13[%swap3A_276, %swap3A_277] {strides = array<i32>} : memref<64x80xf32, #tpu.memory_space<vmem>>, vector<16xf32>,
        tpu.vector_store %arg13[%swap3A_276, %swap3A_277], %mul3A_275 {strides = array<i32>} : memref<64x80xf32, #tpu.memory_space<vmem>>, vector<16xf32>,
        %slice3A_279 = vector.extract_strided_slice %get3A_248 {offsets = [3], sizes = [1], strides = [1]} : vector<16xf32> to vector<1xf32>
        %squeeze3A_280 = vector.extract %slice3A_279[0] : f32 from vector<1xf32>
        %broadcast_in_dim3A_281 = vector.broadcast %squeeze3A_280 : f32 to vector<16xf32>
        %get3A_282 = arith.index_cast %scan3A_246 : i32 to index
        %get3A_283 = arith.constant 48 : index
        %get3A_284 = tpu.vector_load %arg12[%get3A_282, %get3A_283] {strides = array<i32>} : memref<64x64xf32, #tpu.memory_space<vmem>>, vector<16xf32>,
        %mul3A_285 = arith.mulf %get3A_284, %broadcast_in_dim3A_281 : vector<16xf32>
        %swap3A_286 = arith.index_cast %scan3A_246 : i32 to index
        %swap3A_287 = arith.constant 48 : index
        %swap3A_288 = tpu.vector_load %arg13[%swap3A_286, %swap3A_287] {strides = array<i32>} : memref<64x80xf32, #tpu.memory_space<vmem>>, vector<16xf32>,
        tpu.vector_store %arg13[%swap3A_286, %swap3A_287], %mul3A_285 {strides = array<i32>} : memref<64x80xf32, #tpu.memory_space<vmem>>, vector<16xf32>,
      }
      %scan3A_245 = arith.constant 64 : i32
      "tpu.region"() ({
        %run_scoped3A = tpu.sem_alloc : memref<!tpu.dma_semaphore, #tpu.memory_space<semaphore_mem>>
        %dma_start3A = arith.constant 0 : i32
        %dma_start3A_246 = arith.constant 0 : i32
        %dma_start3A_247 = tpu.memref_slice %arg15[%dma_start3A, %dma_start3A_246] : memref<10112x80xf32, #tpu.memory_space<vmem_shared>> -> memref<10112x80xf32, #tpu.memory_space<vmem_shared>>
        tpu.enqueue_indirect_dma source(%arg13 : memref<64x80xf32, #tpu.memory_space<vmem>>) target(%dma_start3A_247 : memref<10112x80xf32, #tpu.memory_space<vmem_shared>>) offsets(%arg9 : memref<64xi32, #tpu.memory_space<vmem>>) semaphore(%run_scoped3A : memref<!tpu.dma_semaphore, #tpu.memory_space<semaphore_mem>>) {add = true}
        %dma_wait3A = arith.constant 0 : i32
        %dma_wait3A_248 = arith.constant 0 : i32
        %dma_wait3A_249 = tpu.memref_slice %arg15[%dma_wait3A, %dma_wait3A_248] : memref<10112x80xf32, #tpu.memory_space<vmem_shared>> -> memref<10112x80xf32, #tpu.memory_space<vmem_shared>>
        tpu.wait_indirect_dma semaphore(%run_scoped3A : memref<!tpu.dma_semaphore, #tpu.memory_space<semaphore_mem>>) src(%arg13 : memref<64x80xf32, #tpu.memory_space<vmem>>) dst(%dma_wait3A_249 : memref<10112x80xf32, #tpu.memory_space<vmem_shared>>)
        tpu.yield
      }) : () -> ()
    }
    %scan3A_15 = arith.constant 157 : i32
    %barrier3A_16 = arith.constant 0 : index
    tpu.barrier barrier_id(%barrier3A_16)
    %mul3A_17 = arith.constant 10112 : i32
    %mul3A_18 = arith.muli %arg0, %mul3A_17 : i32
    %add3A_19 = arith.addi %mul3A_18, %mul3A_7 : i32
    "tpu.region"() ({
      %run_scoped3A = tpu.sem_alloc : memref<!tpu.dma_semaphore, #tpu.memory_space<semaphore_mem>>
      %dma_start3A = arith.constant 0 : i32
      %dma_start3A_20 = tpu.memref_slice %arg7[%add3A_19, %dma_start3A] : memref<20224x80xf32, #tpu.memory_space<hbm>> -> memref<632x80xf32, #tpu.memory_space<hbm>>
      %dma_start3A_21 = arith.constant 0 : i32
      %dma_start3A_22 = tpu.memref_slice %arg15[%mul3A_7, %dma_start3A_21] : memref<10112x80xf32, #tpu.memory_space<vmem_shared>> -> memref<632x80xf32, #tpu.memory_space<vmem_shared>>
      tpu.enqueue_dma source(%dma_start3A_22 : memref<632x80xf32, #tpu.memory_space<vmem_shared>>) target(%dma_start3A_20 : memref<632x80xf32, #tpu.memory_space<hbm>>) target_semaphore(%run_scoped3A : memref<!tpu.dma_semaphore, #tpu.memory_space<semaphore_mem>>)
      %dma_wait3A = arith.constant 0 : i32
      %dma_wait3A_23 = tpu.memref_slice %arg7[%add3A_19, %dma_wait3A] : memref<20224x80xf32, #tpu.memory_space<hbm>> -> memref<632x80xf32, #tpu.memory_space<hbm>>
      %dma_wait3A_24 = arith.constant 0 : i32
      %dma_wait3A_25 = tpu.memref_slice %arg15[%mul3A_7, %dma_wait3A_24] : memref<10112x80xf32, #tpu.memory_space<vmem_shared>> -> memref<632x80xf32, #tpu.memory_space<vmem_shared>>
      tpu.wait_dma2 semaphore(%run_scoped3A : memref<!tpu.dma_semaphore, #tpu.memory_space<semaphore_mem>>) src(%dma_wait3A_25 : memref<632x80xf32, #tpu.memory_space<vmem_shared>>) dst(%dma_wait3A_23 : memref<632x80xf32, #tpu.memory_space<hbm>>)
      tpu.yield
    }) : () -> ()
    return
  }
}

module attributes {stable_mosaic.version = 14 : i64} {
  func.func @_dense0_body(%arg0: memref<10000x128xf32, #tpu.memory_space<vmem>>, %arg1: memref<128x128xf32, #tpu.memory_space<vmem>>, %arg2: memref<1x128xf32, #tpu.memory_space<vmem>>, %arg3: memref<1x128xf32, #tpu.memory_space<vmem>>, %arg4: memref<1x128xf32, #tpu.memory_space<vmem>>, %arg5: memref<128x128xf32, #tpu.memory_space<vmem>>, %arg6: memref<1x128xf32, #tpu.memory_space<vmem>>, %arg7: memref<1x128xf32, #tpu.memory_space<vmem>>, %arg8: memref<10112x128xf32, #tpu.memory_space<vmem>>, %arg9: memref<10112x16xf32, #tpu.memory_space<vmem>>) attributes {dimension_semantics = [], scalar_prefetch = 0 : i64, scratch_operands = 0 : i64, tpu.core_type = #tpu.core_type<tc>} {
    %get3A = arith.constant 0 : index
    %get3A_0 = arith.constant 0 : index
    %get3A_1 = vector.load %arg0[%get3A, %get3A_0] : memref<10000x128xf32, #tpu.memory_space<vmem>>, vector<10000x128xf32>
    %get3A_2 = arith.constant 0 : index
    %get3A_3 = arith.constant 0 : index
    %get3A_4 = vector.load %arg1[%get3A_2, %get3A_3] : memref<128x128xf32, #tpu.memory_space<vmem>>, vector<128x128xf32>
    %dot_general3A = arith.constant dense<0.000000e+00> : vector<10000x128xf32>
    %dot_general3A_5 = tpu.matmul %get3A_1, %get3A_4, %dot_general3A {dimension_numbers = #tpu.dot_dimension_numbers<[1], [0], [0], [1], [0, 0, 1, 1], [], []>, precision = #tpu.contract_precision<fp32>, transpose_lhs_hint = false} : vector<10000x128xf32>, vector<128x128xf32>, vector<10000x128xf32> -> vector<10000x128xf32>
    %get3A_6 = arith.constant 0 : index
    %get3A_7 = arith.constant 0 : index
    %get3A_8 = vector.load %arg2[%get3A_6, %get3A_7] : memref<1x128xf32, #tpu.memory_space<vmem>>, vector<1x128xf32>
    %add3A = vector.broadcast %get3A_8 : vector<1x128xf32> to vector<10000x128xf32>
    %add3A_9 = arith.addf %dot_general3A_5, %add3A : vector<10000x128xf32>
    %reduce_sum3A = arith.constant dense<0.000000e+00> : vector<128xf32>
    %reduce_sum3A_10 = vector.multi_reduction <add>, %add3A_9, %reduce_sum3A [0] : vector<10000x128xf32> to vector<128xf32>
    %broadcast_in_dim3A = vector.shape_cast %reduce_sum3A_10 : vector<128xf32> to vector<1x128xf32>
    %div3A = arith.constant 1.000000e+04 : f32
    %div3A_11 = vector.broadcast %div3A : f32 to vector<1x128xf32>
    %div3A_12 = arith.divf %broadcast_in_dim3A, %div3A_11 : vector<1x128xf32>
    %sub3A = vector.broadcast %div3A_12 : vector<1x128xf32> to vector<10000x128xf32>
    %sub3A_13 = arith.subf %add3A_9, %sub3A : vector<10000x128xf32>
    %mul3A = arith.mulf %sub3A_13, %sub3A_13 : vector<10000x128xf32>
    %reduce_sum3A_14 = arith.constant dense<0.000000e+00> : vector<128xf32>
    %reduce_sum3A_15 = vector.multi_reduction <add>, %mul3A, %reduce_sum3A_14 [0] : vector<10000x128xf32> to vector<128xf32>
    %broadcast_in_dim3A_16 = vector.shape_cast %reduce_sum3A_15 : vector<128xf32> to vector<1x128xf32>
    %div3A_17 = arith.constant 1.000000e+04 : f32
    %div3A_18 = vector.broadcast %div3A_17 : f32 to vector<1x128xf32>
    %div3A_19 = arith.divf %broadcast_in_dim3A_16, %div3A_18 : vector<1x128xf32>
    %add3A_20 = arith.constant 9.99999974E-6 : f32
    %add3A_21 = vector.broadcast %add3A_20 : f32 to vector<1x128xf32>
    %add3A_22 = arith.addf %div3A_19, %add3A_21 : vector<1x128xf32>
    %sqrt3A = math.sqrt %add3A_22 : vector<1x128xf32>
    %div3A_23 = vector.broadcast %sqrt3A : vector<1x128xf32> to vector<10000x128xf32>
    %div3A_24 = arith.divf %sub3A_13, %div3A_23 : vector<10000x128xf32>
    %get3A_25 = arith.constant 0 : index
    %get3A_26 = arith.constant 0 : index
    %get3A_27 = vector.load %arg3[%get3A_25, %get3A_26] : memref<1x128xf32, #tpu.memory_space<vmem>>, vector<1x128xf32>
    %mul3A_28 = vector.broadcast %get3A_27 : vector<1x128xf32> to vector<10000x128xf32>
    %mul3A_29 = arith.mulf %div3A_24, %mul3A_28 : vector<10000x128xf32>
    %get3A_30 = arith.constant 0 : index
    %get3A_31 = arith.constant 0 : index
    %get3A_32 = vector.load %arg4[%get3A_30, %get3A_31] : memref<1x128xf32, #tpu.memory_space<vmem>>, vector<1x128xf32>
    %add3A_33 = vector.broadcast %get3A_32 : vector<1x128xf32> to vector<10000x128xf32>
    %add3A_34 = arith.addf %mul3A_29, %add3A_33 : vector<10000x128xf32>
    %mul3A_35 = arith.constant 0.00999999977 : f32
    %mul3A_36 = vector.broadcast %mul3A_35 : f32 to vector<10000x128xf32>
    %mul3A_37 = arith.mulf %mul3A_36, %add3A_34 : vector<10000x128xf32>
    %max3A = arith.maximumf %add3A_34, %mul3A_37 : vector<10000x128xf32>
    %get3A_38 = arith.constant 0 : index
    %get3A_39 = arith.constant 0 : index
    %get3A_40 = vector.load %arg5[%get3A_38, %get3A_39] : memref<128x128xf32, #tpu.memory_space<vmem>>, vector<128x128xf32>
    %dot_general3A_41 = arith.constant dense<0.000000e+00> : vector<10000x128xf32>
    %dot_general3A_42 = tpu.matmul %max3A, %get3A_40, %dot_general3A_41 {dimension_numbers = #tpu.dot_dimension_numbers<[1], [0], [0], [1], [0, 0, 1, 1], [], []>, precision = #tpu.contract_precision<fp32>, transpose_lhs_hint = false} : vector<10000x128xf32>, vector<128x128xf32>, vector<10000x128xf32> -> vector<10000x128xf32>
    %get3A_43 = arith.constant 0 : index
    %get3A_44 = arith.constant 0 : index
    %get3A_45 = vector.load %arg6[%get3A_43, %get3A_44] : memref<1x128xf32, #tpu.memory_space<vmem>>, vector<1x128xf32>
    %mul3A_46 = vector.broadcast %get3A_45 : vector<1x128xf32> to vector<10000x128xf32>
    %mul3A_47 = arith.mulf %dot_general3A_42, %mul3A_46 : vector<10000x128xf32>
    %get3A_48 = arith.constant 0 : index
    %get3A_49 = arith.constant 0 : index
    %get3A_50 = vector.load %arg7[%get3A_48, %get3A_49] : memref<1x128xf32, #tpu.memory_space<vmem>>, vector<1x128xf32>
    %mul3A_51 = vector.broadcast %get3A_50 : vector<1x128xf32> to vector<10000x128xf32>
    %mul3A_52 = arith.mulf %dot_general3A_42, %mul3A_51 : vector<10000x128xf32>
    %slice3A = vector.extract_strided_slice %mul3A_47 {offsets = [0, 0], sizes = [10000, 32], strides = [1, 1]} : vector<10000x128xf32> to vector<10000x32xf32>
    %reduce_sum3A_53 = arith.constant dense<0.000000e+00> : vector<10000xf32>
    %reduce_sum3A_54 = vector.multi_reduction <add>, %slice3A, %reduce_sum3A_53 [1] : vector<10000x32xf32> to vector<10000xf32>
    %broadcast_in_dim3A_55 = vector.shape_cast %reduce_sum3A_54 : vector<10000xf32> to vector<10000x1xf32>
    %slice3A_56 = vector.extract_strided_slice %mul3A_47 {offsets = [0, 32], sizes = [10000, 32], strides = [1, 1]} : vector<10000x128xf32> to vector<10000x32xf32>
    %reduce_sum3A_57 = arith.constant dense<0.000000e+00> : vector<10000xf32>
    %reduce_sum3A_58 = vector.multi_reduction <add>, %slice3A_56, %reduce_sum3A_57 [1] : vector<10000x32xf32> to vector<10000xf32>
    %broadcast_in_dim3A_59 = vector.shape_cast %reduce_sum3A_58 : vector<10000xf32> to vector<10000x1xf32>
    %slice3A_60 = vector.extract_strided_slice %mul3A_47 {offsets = [0, 64], sizes = [10000, 32], strides = [1, 1]} : vector<10000x128xf32> to vector<10000x32xf32>
    %reduce_sum3A_61 = arith.constant dense<0.000000e+00> : vector<10000xf32>
    %reduce_sum3A_62 = vector.multi_reduction <add>, %slice3A_60, %reduce_sum3A_61 [1] : vector<10000x32xf32> to vector<10000xf32>
    %broadcast_in_dim3A_63 = vector.shape_cast %reduce_sum3A_62 : vector<10000xf32> to vector<10000x1xf32>
    %slice3A_64 = vector.extract_strided_slice %mul3A_47 {offsets = [0, 96], sizes = [10000, 32], strides = [1, 1]} : vector<10000x128xf32> to vector<10000x32xf32>
    %reduce_sum3A_65 = arith.constant dense<0.000000e+00> : vector<10000xf32>
    %reduce_sum3A_66 = vector.multi_reduction <add>, %slice3A_64, %reduce_sum3A_65 [1] : vector<10000x32xf32> to vector<10000xf32>
    %broadcast_in_dim3A_67 = vector.shape_cast %reduce_sum3A_66 : vector<10000xf32> to vector<10000x1xf32>
    %slice3A_68 = vector.extract_strided_slice %mul3A_52 {offsets = [0, 0], sizes = [10000, 32], strides = [1, 1]} : vector<10000x128xf32> to vector<10000x32xf32>
    %reduce_sum3A_69 = arith.constant dense<0.000000e+00> : vector<10000xf32>
    %reduce_sum3A_70 = vector.multi_reduction <add>, %slice3A_68, %reduce_sum3A_69 [1] : vector<10000x32xf32> to vector<10000xf32>
    %broadcast_in_dim3A_71 = vector.shape_cast %reduce_sum3A_70 : vector<10000xf32> to vector<10000x1xf32>
    %slice3A_72 = vector.extract_strided_slice %mul3A_52 {offsets = [0, 32], sizes = [10000, 32], strides = [1, 1]} : vector<10000x128xf32> to vector<10000x32xf32>
    %reduce_sum3A_73 = arith.constant dense<0.000000e+00> : vector<10000xf32>
    %reduce_sum3A_74 = vector.multi_reduction <add>, %slice3A_72, %reduce_sum3A_73 [1] : vector<10000x32xf32> to vector<10000xf32>
    %broadcast_in_dim3A_75 = vector.shape_cast %reduce_sum3A_74 : vector<10000xf32> to vector<10000x1xf32>
    %slice3A_76 = vector.extract_strided_slice %mul3A_52 {offsets = [0, 64], sizes = [10000, 32], strides = [1, 1]} : vector<10000x128xf32> to vector<10000x32xf32>
    %reduce_sum3A_77 = arith.constant dense<0.000000e+00> : vector<10000xf32>
    %reduce_sum3A_78 = vector.multi_reduction <add>, %slice3A_76, %reduce_sum3A_77 [1] : vector<10000x32xf32> to vector<10000xf32>
    %broadcast_in_dim3A_79 = vector.shape_cast %reduce_sum3A_78 : vector<10000xf32> to vector<10000x1xf32>
    %slice3A_80 = vector.extract_strided_slice %mul3A_52 {offsets = [0, 96], sizes = [10000, 32], strides = [1, 1]} : vector<10000x128xf32> to vector<10000x32xf32>
    %reduce_sum3A_81 = arith.constant dense<0.000000e+00> : vector<10000xf32>
    %reduce_sum3A_82 = vector.multi_reduction <add>, %slice3A_80, %reduce_sum3A_81 [1] : vector<10000x32xf32> to vector<10000xf32>
    %broadcast_in_dim3A_83 = vector.shape_cast %reduce_sum3A_82 : vector<10000xf32> to vector<10000x1xf32>
    %broadcast_in_dim3A_84 = arith.constant 0.000000e+00 : f32
    %broadcast_in_dim3A_85 = vector.broadcast %broadcast_in_dim3A_84 : f32 to vector<10000x8xf32>
    %concatenate3A = tpu.concatenate %broadcast_in_dim3A_55, %broadcast_in_dim3A_59, %broadcast_in_dim3A_63, %broadcast_in_dim3A_67, %broadcast_in_dim3A_71, %broadcast_in_dim3A_75, %broadcast_in_dim3A_79, %broadcast_in_dim3A_83, %broadcast_in_dim3A_85 in 1 : vector<10000x1xf32>, vector<10000x1xf32>, vector<10000x1xf32>, vector<10000x1xf32>, vector<10000x1xf32>, vector<10000x1xf32>, vector<10000x1xf32>, vector<10000x1xf32>, vector<10000x8xf32> -> vector<10000x16xf32>
    %broadcast_in_dim3A_86 = arith.constant 0.000000e+00 : f32
    %broadcast_in_dim3A_87 = vector.broadcast %broadcast_in_dim3A_86 : f32 to vector<112x128xf32>
    %concatenate3A_88 = tpu.concatenate %dot_general3A_42, %broadcast_in_dim3A_87 in 0 : vector<10000x128xf32>, vector<112x128xf32> -> vector<10112x128xf32>
    %swap3A = arith.constant 0 : index
    %swap3A_89 = arith.constant 0 : index
    %swap3A_90 = vector.load %arg8[%swap3A, %swap3A_89] : memref<10112x128xf32, #tpu.memory_space<vmem>>, vector<10112x128xf32>
    tpu.vector_store %arg8[%swap3A, %swap3A_89], %concatenate3A_88 {strides = array<i32>} : memref<10112x128xf32, #tpu.memory_space<vmem>>, vector<10112x128xf32>,
    %broadcast_in_dim3A_91 = arith.constant 0.000000e+00 : f32
    %broadcast_in_dim3A_92 = vector.broadcast %broadcast_in_dim3A_91 : f32 to vector<112x16xf32>
    %concatenate3A_93 = tpu.concatenate %concatenate3A, %broadcast_in_dim3A_92 in 0 : vector<10000x16xf32>, vector<112x16xf32> -> vector<10112x16xf32>
    %swap3A_94 = arith.constant 0 : index
    %swap3A_95 = arith.constant 0 : index
    %swap3A_96 = vector.load %arg9[%swap3A_94, %swap3A_95] : memref<10112x16xf32, #tpu.memory_space<vmem>>, vector<10112x16xf32>
    tpu.vector_store %arg9[%swap3A_94, %swap3A_95], %concatenate3A_93 {strides = array<i32>} : memref<10112x16xf32, #tpu.memory_space<vmem>>, vector<10112x16xf32>,
    return
  }
}

module attributes {stable_mosaic.version = 14 : i64} {
  func.func @_agg0_body(%arg0: memref<2x10112x144xf32, #tpu.memory_space<vmem>>, %arg1: memref<1x128xf32, #tpu.memory_space<vmem>>, %arg2: memref<10000x128xf32, #tpu.memory_space<vmem>>) attributes {dimension_semantics = [], scalar_prefetch = 0 : i64, scratch_operands = 0 : i64, tpu.core_type = #tpu.core_type<tc>} {
    %get3A = arith.constant 0 : index
    %get3A_0 = arith.constant 0 : index
    %get3A_1 = arith.constant 0 : index
    %get3A_2 = vector.load %arg0[%get3A, %get3A_0, %get3A_1] : memref<2x10112x144xf32, #tpu.memory_space<vmem>>, vector<1x10112x144xf32>
    %get3A_3 = vector.shape_cast %get3A_2 : vector<1x10112x144xf32> to vector<10112x144xf32>
    %get3A_4 = arith.constant 1 : index
    %get3A_5 = arith.constant 0 : index
    %get3A_6 = arith.constant 0 : index
    %get3A_7 = vector.load %arg0[%get3A_4, %get3A_5, %get3A_6] : memref<2x10112x144xf32, #tpu.memory_space<vmem>>, vector<1x10112x144xf32>
    %get3A_8 = vector.shape_cast %get3A_7 : vector<1x10112x144xf32> to vector<10112x144xf32>
    %add3A = arith.addf %get3A_3, %get3A_8 : vector<10112x144xf32>
    %slice3A = vector.extract_strided_slice %add3A {offsets = [0, 128], sizes = [10000, 1], strides = [1, 1]} : vector<10112x144xf32> to vector<10000x1xf32>
    %add3A_9 = arith.constant 1.000000e-16 : f32
    %add3A_10 = vector.broadcast %add3A_9 : f32 to vector<10000x1xf32>
    %add3A_11 = arith.addf %slice3A, %add3A_10 : vector<10000x1xf32>
    %slice3A_12 = vector.extract_strided_slice %add3A {offsets = [0, 0], sizes = [10000, 32], strides = [1, 1]} : vector<10112x144xf32> to vector<10000x32xf32>
    %div3A = vector.broadcast %add3A_11 : vector<10000x1xf32> to vector<10000x32xf32>
    %div3A_13 = arith.divf %slice3A_12, %div3A : vector<10000x32xf32>
    %slice3A_14 = vector.extract_strided_slice %add3A {offsets = [0, 129], sizes = [10000, 1], strides = [1, 1]} : vector<10112x144xf32> to vector<10000x1xf32>
    %add3A_15 = arith.constant 1.000000e-16 : f32
    %add3A_16 = vector.broadcast %add3A_15 : f32 to vector<10000x1xf32>
    %add3A_17 = arith.addf %slice3A_14, %add3A_16 : vector<10000x1xf32>
    %slice3A_18 = vector.extract_strided_slice %add3A {offsets = [0, 32], sizes = [10000, 32], strides = [1, 1]} : vector<10112x144xf32> to vector<10000x32xf32>
    %div3A_19 = vector.broadcast %add3A_17 : vector<10000x1xf32> to vector<10000x32xf32>
    %div3A_20 = arith.divf %slice3A_18, %div3A_19 : vector<10000x32xf32>
    %slice3A_21 = vector.extract_strided_slice %add3A {offsets = [0, 130], sizes = [10000, 1], strides = [1, 1]} : vector<10112x144xf32> to vector<10000x1xf32>
    %add3A_22 = arith.constant 1.000000e-16 : f32
    %add3A_23 = vector.broadcast %add3A_22 : f32 to vector<10000x1xf32>
    %add3A_24 = arith.addf %slice3A_21, %add3A_23 : vector<10000x1xf32>
    %slice3A_25 = vector.extract_strided_slice %add3A {offsets = [0, 64], sizes = [10000, 32], strides = [1, 1]} : vector<10112x144xf32> to vector<10000x32xf32>
    %div3A_26 = vector.broadcast %add3A_24 : vector<10000x1xf32> to vector<10000x32xf32>
    %div3A_27 = arith.divf %slice3A_25, %div3A_26 : vector<10000x32xf32>
    %slice3A_28 = vector.extract_strided_slice %add3A {offsets = [0, 131], sizes = [10000, 1], strides = [1, 1]} : vector<10112x144xf32> to vector<10000x1xf32>
    %add3A_29 = arith.constant 1.000000e-16 : f32
    %add3A_30 = vector.broadcast %add3A_29 : f32 to vector<10000x1xf32>
    %add3A_31 = arith.addf %slice3A_28, %add3A_30 : vector<10000x1xf32>
    %slice3A_32 = vector.extract_strided_slice %add3A {offsets = [0, 96], sizes = [10000, 32], strides = [1, 1]} : vector<10112x144xf32> to vector<10000x32xf32>
    %div3A_33 = vector.broadcast %add3A_31 : vector<10000x1xf32> to vector<10000x32xf32>
    %div3A_34 = arith.divf %slice3A_32, %div3A_33 : vector<10000x32xf32>
    %concatenate3A = tpu.concatenate %div3A_13, %div3A_20, %div3A_27, %div3A_34 in 1 : vector<10000x32xf32>, vector<10000x32xf32>, vector<10000x32xf32>, vector<10000x32xf32> -> vector<10000x128xf32>
    %get3A_35 = arith.constant 0 : index
    %get3A_36 = arith.constant 0 : index
    %get3A_37 = vector.load %arg1[%get3A_35, %get3A_36] : memref<1x128xf32, #tpu.memory_space<vmem>>, vector<1x128xf32>
    %add3A_38 = vector.broadcast %get3A_37 : vector<1x128xf32> to vector<10000x128xf32>
    %add3A_39 = arith.addf %concatenate3A, %add3A_38 : vector<10000x128xf32>
    %swap3A = arith.constant 0 : index
    %swap3A_40 = arith.constant 0 : index
    %swap3A_41 = vector.load %arg2[%swap3A, %swap3A_40] : memref<10000x128xf32, #tpu.memory_space<vmem>>, vector<10000x128xf32>
    tpu.vector_store %arg2[%swap3A, %swap3A_40], %add3A_39 {strides = array<i32>} : memref<10000x128xf32, #tpu.memory_space<vmem>>, vector<10000x128xf32>,
    return
  }
}

module attributes {stable_mosaic.version = 14 : i64} {
  func.func @_dense1_body(%arg0: memref<10000x128xf32, #tpu.memory_space<vmem>>, %arg1: memref<128x128xf32, #tpu.memory_space<vmem>>, %arg2: memref<1x128xf32, #tpu.memory_space<vmem>>, %arg3: memref<1x128xf32, #tpu.memory_space<vmem>>, %arg4: memref<1x128xf32, #tpu.memory_space<vmem>>, %arg5: memref<128x64xf32, #tpu.memory_space<vmem>>, %arg6: memref<1x64xf32, #tpu.memory_space<vmem>>, %arg7: memref<1x64xf32, #tpu.memory_space<vmem>>, %arg8: memref<10112x64xf32, #tpu.memory_space<vmem>>, %arg9: memref<10112x16xf32, #tpu.memory_space<vmem>>) attributes {dimension_semantics = [], scalar_prefetch = 0 : i64, scratch_operands = 0 : i64, tpu.core_type = #tpu.core_type<tc>} {
    %get3A = arith.constant 0 : index
    %get3A_0 = arith.constant 0 : index
    %get3A_1 = vector.load %arg0[%get3A, %get3A_0] : memref<10000x128xf32, #tpu.memory_space<vmem>>, vector<10000x128xf32>
    %get3A_2 = arith.constant 0 : index
    %get3A_3 = arith.constant 0 : index
    %get3A_4 = vector.load %arg1[%get3A_2, %get3A_3] : memref<128x128xf32, #tpu.memory_space<vmem>>, vector<128x128xf32>
    %dot_general3A = arith.constant dense<0.000000e+00> : vector<10000x128xf32>
    %dot_general3A_5 = tpu.matmul %get3A_1, %get3A_4, %dot_general3A {dimension_numbers = #tpu.dot_dimension_numbers<[1], [0], [0], [1], [0, 0, 1, 1], [], []>, precision = #tpu.contract_precision<fp32>, transpose_lhs_hint = false} : vector<10000x128xf32>, vector<128x128xf32>, vector<10000x128xf32> -> vector<10000x128xf32>
    %get3A_6 = arith.constant 0 : index
    %get3A_7 = arith.constant 0 : index
    %get3A_8 = vector.load %arg2[%get3A_6, %get3A_7] : memref<1x128xf32, #tpu.memory_space<vmem>>, vector<1x128xf32>
    %add3A = vector.broadcast %get3A_8 : vector<1x128xf32> to vector<10000x128xf32>
    %add3A_9 = arith.addf %dot_general3A_5, %add3A : vector<10000x128xf32>
    %reduce_sum3A = arith.constant dense<0.000000e+00> : vector<128xf32>
    %reduce_sum3A_10 = vector.multi_reduction <add>, %add3A_9, %reduce_sum3A [0] : vector<10000x128xf32> to vector<128xf32>
    %broadcast_in_dim3A = vector.shape_cast %reduce_sum3A_10 : vector<128xf32> to vector<1x128xf32>
    %div3A = arith.constant 1.000000e+04 : f32
    %div3A_11 = vector.broadcast %div3A : f32 to vector<1x128xf32>
    %div3A_12 = arith.divf %broadcast_in_dim3A, %div3A_11 : vector<1x128xf32>
    %sub3A = vector.broadcast %div3A_12 : vector<1x128xf32> to vector<10000x128xf32>
    %sub3A_13 = arith.subf %add3A_9, %sub3A : vector<10000x128xf32>
    %mul3A = arith.mulf %sub3A_13, %sub3A_13 : vector<10000x128xf32>
    %reduce_sum3A_14 = arith.constant dense<0.000000e+00> : vector<128xf32>
    %reduce_sum3A_15 = vector.multi_reduction <add>, %mul3A, %reduce_sum3A_14 [0] : vector<10000x128xf32> to vector<128xf32>
    %broadcast_in_dim3A_16 = vector.shape_cast %reduce_sum3A_15 : vector<128xf32> to vector<1x128xf32>
    %div3A_17 = arith.constant 1.000000e+04 : f32
    %div3A_18 = vector.broadcast %div3A_17 : f32 to vector<1x128xf32>
    %div3A_19 = arith.divf %broadcast_in_dim3A_16, %div3A_18 : vector<1x128xf32>
    %add3A_20 = arith.constant 9.99999974E-6 : f32
    %add3A_21 = vector.broadcast %add3A_20 : f32 to vector<1x128xf32>
    %add3A_22 = arith.addf %div3A_19, %add3A_21 : vector<1x128xf32>
    %sqrt3A = math.sqrt %add3A_22 : vector<1x128xf32>
    %div3A_23 = vector.broadcast %sqrt3A : vector<1x128xf32> to vector<10000x128xf32>
    %div3A_24 = arith.divf %sub3A_13, %div3A_23 : vector<10000x128xf32>
    %get3A_25 = arith.constant 0 : index
    %get3A_26 = arith.constant 0 : index
    %get3A_27 = vector.load %arg3[%get3A_25, %get3A_26] : memref<1x128xf32, #tpu.memory_space<vmem>>, vector<1x128xf32>
    %mul3A_28 = vector.broadcast %get3A_27 : vector<1x128xf32> to vector<10000x128xf32>
    %mul3A_29 = arith.mulf %div3A_24, %mul3A_28 : vector<10000x128xf32>
    %get3A_30 = arith.constant 0 : index
    %get3A_31 = arith.constant 0 : index
    %get3A_32 = vector.load %arg4[%get3A_30, %get3A_31] : memref<1x128xf32, #tpu.memory_space<vmem>>, vector<1x128xf32>
    %add3A_33 = vector.broadcast %get3A_32 : vector<1x128xf32> to vector<10000x128xf32>
    %add3A_34 = arith.addf %mul3A_29, %add3A_33 : vector<10000x128xf32>
    %mul3A_35 = arith.constant 0.00999999977 : f32
    %mul3A_36 = vector.broadcast %mul3A_35 : f32 to vector<10000x128xf32>
    %mul3A_37 = arith.mulf %mul3A_36, %add3A_34 : vector<10000x128xf32>
    %max3A = arith.maximumf %add3A_34, %mul3A_37 : vector<10000x128xf32>
    %get3A_38 = arith.constant 0 : index
    %get3A_39 = arith.constant 0 : index
    %get3A_40 = vector.load %arg5[%get3A_38, %get3A_39] : memref<128x64xf32, #tpu.memory_space<vmem>>, vector<128x64xf32>
    %dot_general3A_41 = arith.constant dense<0.000000e+00> : vector<10000x64xf32>
    %dot_general3A_42 = tpu.matmul %max3A, %get3A_40, %dot_general3A_41 {dimension_numbers = #tpu.dot_dimension_numbers<[1], [0], [0], [1], [0, 0, 1, 1], [], []>, precision = #tpu.contract_precision<fp32>, transpose_lhs_hint = false} : vector<10000x128xf32>, vector<128x64xf32>, vector<10000x64xf32> -> vector<10000x64xf32>
    %get3A_43 = arith.constant 0 : index
    %get3A_44 = arith.constant 0 : index
    %get3A_45 = vector.load %arg6[%get3A_43, %get3A_44] : memref<1x64xf32, #tpu.memory_space<vmem>>, vector<1x64xf32>
    %mul3A_46 = vector.broadcast %get3A_45 : vector<1x64xf32> to vector<10000x64xf32>
    %mul3A_47 = arith.mulf %dot_general3A_42, %mul3A_46 : vector<10000x64xf32>
    %get3A_48 = arith.constant 0 : index
    %get3A_49 = arith.constant 0 : index
    %get3A_50 = vector.load %arg7[%get3A_48, %get3A_49] : memref<1x64xf32, #tpu.memory_space<vmem>>, vector<1x64xf32>
    %mul3A_51 = vector.broadcast %get3A_50 : vector<1x64xf32> to vector<10000x64xf32>
    %mul3A_52 = arith.mulf %dot_general3A_42, %mul3A_51 : vector<10000x64xf32>
    %slice3A = vector.extract_strided_slice %mul3A_47 {offsets = [0, 0], sizes = [10000, 16], strides = [1, 1]} : vector<10000x64xf32> to vector<10000x16xf32>
    %reduce_sum3A_53 = arith.constant dense<0.000000e+00> : vector<10000xf32>
    %reduce_sum3A_54 = vector.multi_reduction <add>, %slice3A, %reduce_sum3A_53 [1] : vector<10000x16xf32> to vector<10000xf32>
    %broadcast_in_dim3A_55 = vector.shape_cast %reduce_sum3A_54 : vector<10000xf32> to vector<10000x1xf32>
    %slice3A_56 = vector.extract_strided_slice %mul3A_47 {offsets = [0, 16], sizes = [10000, 16], strides = [1, 1]} : vector<10000x64xf32> to vector<10000x16xf32>
    %reduce_sum3A_57 = arith.constant dense<0.000000e+00> : vector<10000xf32>
    %reduce_sum3A_58 = vector.multi_reduction <add>, %slice3A_56, %reduce_sum3A_57 [1] : vector<10000x16xf32> to vector<10000xf32>
    %broadcast_in_dim3A_59 = vector.shape_cast %reduce_sum3A_58 : vector<10000xf32> to vector<10000x1xf32>
    %slice3A_60 = vector.extract_strided_slice %mul3A_47 {offsets = [0, 32], sizes = [10000, 16], strides = [1, 1]} : vector<10000x64xf32> to vector<10000x16xf32>
    %reduce_sum3A_61 = arith.constant dense<0.000000e+00> : vector<10000xf32>
    %reduce_sum3A_62 = vector.multi_reduction <add>, %slice3A_60, %reduce_sum3A_61 [1] : vector<10000x16xf32> to vector<10000xf32>
    %broadcast_in_dim3A_63 = vector.shape_cast %reduce_sum3A_62 : vector<10000xf32> to vector<10000x1xf32>
    %slice3A_64 = vector.extract_strided_slice %mul3A_47 {offsets = [0, 48], sizes = [10000, 16], strides = [1, 1]} : vector<10000x64xf32> to vector<10000x16xf32>
    %reduce_sum3A_65 = arith.constant dense<0.000000e+00> : vector<10000xf32>
    %reduce_sum3A_66 = vector.multi_reduction <add>, %slice3A_64, %reduce_sum3A_65 [1] : vector<10000x16xf32> to vector<10000xf32>
    %broadcast_in_dim3A_67 = vector.shape_cast %reduce_sum3A_66 : vector<10000xf32> to vector<10000x1xf32>
    %slice3A_68 = vector.extract_strided_slice %mul3A_52 {offsets = [0, 0], sizes = [10000, 16], strides = [1, 1]} : vector<10000x64xf32> to vector<10000x16xf32>
    %reduce_sum3A_69 = arith.constant dense<0.000000e+00> : vector<10000xf32>
    %reduce_sum3A_70 = vector.multi_reduction <add>, %slice3A_68, %reduce_sum3A_69 [1] : vector<10000x16xf32> to vector<10000xf32>
    %broadcast_in_dim3A_71 = vector.shape_cast %reduce_sum3A_70 : vector<10000xf32> to vector<10000x1xf32>
    %slice3A_72 = vector.extract_strided_slice %mul3A_52 {offsets = [0, 16], sizes = [10000, 16], strides = [1, 1]} : vector<10000x64xf32> to vector<10000x16xf32>
    %reduce_sum3A_73 = arith.constant dense<0.000000e+00> : vector<10000xf32>
    %reduce_sum3A_74 = vector.multi_reduction <add>, %slice3A_72, %reduce_sum3A_73 [1] : vector<10000x16xf32> to vector<10000xf32>
    %broadcast_in_dim3A_75 = vector.shape_cast %reduce_sum3A_74 : vector<10000xf32> to vector<10000x1xf32>
    %slice3A_76 = vector.extract_strided_slice %mul3A_52 {offsets = [0, 32], sizes = [10000, 16], strides = [1, 1]} : vector<10000x64xf32> to vector<10000x16xf32>
    %reduce_sum3A_77 = arith.constant dense<0.000000e+00> : vector<10000xf32>
    %reduce_sum3A_78 = vector.multi_reduction <add>, %slice3A_76, %reduce_sum3A_77 [1] : vector<10000x16xf32> to vector<10000xf32>
    %broadcast_in_dim3A_79 = vector.shape_cast %reduce_sum3A_78 : vector<10000xf32> to vector<10000x1xf32>
    %slice3A_80 = vector.extract_strided_slice %mul3A_52 {offsets = [0, 48], sizes = [10000, 16], strides = [1, 1]} : vector<10000x64xf32> to vector<10000x16xf32>
    %reduce_sum3A_81 = arith.constant dense<0.000000e+00> : vector<10000xf32>
    %reduce_sum3A_82 = vector.multi_reduction <add>, %slice3A_80, %reduce_sum3A_81 [1] : vector<10000x16xf32> to vector<10000xf32>
    %broadcast_in_dim3A_83 = vector.shape_cast %reduce_sum3A_82 : vector<10000xf32> to vector<10000x1xf32>
    %broadcast_in_dim3A_84 = arith.constant 0.000000e+00 : f32
    %broadcast_in_dim3A_85 = vector.broadcast %broadcast_in_dim3A_84 : f32 to vector<10000x8xf32>
    %concatenate3A = tpu.concatenate %broadcast_in_dim3A_55, %broadcast_in_dim3A_59, %broadcast_in_dim3A_63, %broadcast_in_dim3A_67, %broadcast_in_dim3A_71, %broadcast_in_dim3A_75, %broadcast_in_dim3A_79, %broadcast_in_dim3A_83, %broadcast_in_dim3A_85 in 1 : vector<10000x1xf32>, vector<10000x1xf32>, vector<10000x1xf32>, vector<10000x1xf32>, vector<10000x1xf32>, vector<10000x1xf32>, vector<10000x1xf32>, vector<10000x1xf32>, vector<10000x8xf32> -> vector<10000x16xf32>
    %broadcast_in_dim3A_86 = arith.constant 0.000000e+00 : f32
    %broadcast_in_dim3A_87 = vector.broadcast %broadcast_in_dim3A_86 : f32 to vector<112x64xf32>
    %concatenate3A_88 = tpu.concatenate %dot_general3A_42, %broadcast_in_dim3A_87 in 0 : vector<10000x64xf32>, vector<112x64xf32> -> vector<10112x64xf32>
    %swap3A = arith.constant 0 : index
    %swap3A_89 = arith.constant 0 : index
    %swap3A_90 = vector.load %arg8[%swap3A, %swap3A_89] : memref<10112x64xf32, #tpu.memory_space<vmem>>, vector<10112x64xf32>
    tpu.vector_store %arg8[%swap3A, %swap3A_89], %concatenate3A_88 {strides = array<i32>} : memref<10112x64xf32, #tpu.memory_space<vmem>>, vector<10112x64xf32>,
    %broadcast_in_dim3A_91 = arith.constant 0.000000e+00 : f32
    %broadcast_in_dim3A_92 = vector.broadcast %broadcast_in_dim3A_91 : f32 to vector<112x16xf32>
    %concatenate3A_93 = tpu.concatenate %concatenate3A, %broadcast_in_dim3A_92 in 0 : vector<10000x16xf32>, vector<112x16xf32> -> vector<10112x16xf32>
    %swap3A_94 = arith.constant 0 : index
    %swap3A_95 = arith.constant 0 : index
    %swap3A_96 = vector.load %arg9[%swap3A_94, %swap3A_95] : memref<10112x16xf32, #tpu.memory_space<vmem>>, vector<10112x16xf32>
    tpu.vector_store %arg9[%swap3A_94, %swap3A_95], %concatenate3A_93 {strides = array<i32>} : memref<10112x16xf32, #tpu.memory_space<vmem>>, vector<10112x16xf32>,
    return
  }
}

module attributes {stable_mosaic.version = 14 : i64} {
  func.func @_fin_body(%arg0: memref<2x10112x80xf32, #tpu.memory_space<vmem>>, %arg1: memref<1x64xf32, #tpu.memory_space<vmem>>, %arg2: memref<10000x64xf32, #tpu.memory_space<vmem>>) attributes {dimension_semantics = [], scalar_prefetch = 0 : i64, scratch_operands = 0 : i64, tpu.core_type = #tpu.core_type<tc>} {
    %get3A = arith.constant 0 : index
    %get3A_0 = arith.constant 0 : index
    %get3A_1 = arith.constant 0 : index
    %get3A_2 = vector.load %arg0[%get3A, %get3A_0, %get3A_1] : memref<2x10112x80xf32, #tpu.memory_space<vmem>>, vector<1x10112x80xf32>
    %get3A_3 = vector.shape_cast %get3A_2 : vector<1x10112x80xf32> to vector<10112x80xf32>
    %get3A_4 = arith.constant 1 : index
    %get3A_5 = arith.constant 0 : index
    %get3A_6 = arith.constant 0 : index
    %get3A_7 = vector.load %arg0[%get3A_4, %get3A_5, %get3A_6] : memref<2x10112x80xf32, #tpu.memory_space<vmem>>, vector<1x10112x80xf32>
    %get3A_8 = vector.shape_cast %get3A_7 : vector<1x10112x80xf32> to vector<10112x80xf32>
    %add3A = arith.addf %get3A_3, %get3A_8 : vector<10112x80xf32>
    %slice3A = vector.extract_strided_slice %add3A {offsets = [0, 64], sizes = [10000, 1], strides = [1, 1]} : vector<10112x80xf32> to vector<10000x1xf32>
    %add3A_9 = arith.constant 1.000000e-16 : f32
    %add3A_10 = vector.broadcast %add3A_9 : f32 to vector<10000x1xf32>
    %add3A_11 = arith.addf %slice3A, %add3A_10 : vector<10000x1xf32>
    %slice3A_12 = vector.extract_strided_slice %add3A {offsets = [0, 0], sizes = [10000, 16], strides = [1, 1]} : vector<10112x80xf32> to vector<10000x16xf32>
    %div3A = vector.broadcast %add3A_11 : vector<10000x1xf32> to vector<10000x16xf32>
    %div3A_13 = arith.divf %slice3A_12, %div3A : vector<10000x16xf32>
    %slice3A_14 = vector.extract_strided_slice %add3A {offsets = [0, 65], sizes = [10000, 1], strides = [1, 1]} : vector<10112x80xf32> to vector<10000x1xf32>
    %add3A_15 = arith.constant 1.000000e-16 : f32
    %add3A_16 = vector.broadcast %add3A_15 : f32 to vector<10000x1xf32>
    %add3A_17 = arith.addf %slice3A_14, %add3A_16 : vector<10000x1xf32>
    %slice3A_18 = vector.extract_strided_slice %add3A {offsets = [0, 16], sizes = [10000, 16], strides = [1, 1]} : vector<10112x80xf32> to vector<10000x16xf32>
    %div3A_19 = vector.broadcast %add3A_17 : vector<10000x1xf32> to vector<10000x16xf32>
    %div3A_20 = arith.divf %slice3A_18, %div3A_19 : vector<10000x16xf32>
    %slice3A_21 = vector.extract_strided_slice %add3A {offsets = [0, 66], sizes = [10000, 1], strides = [1, 1]} : vector<10112x80xf32> to vector<10000x1xf32>
    %add3A_22 = arith.constant 1.000000e-16 : f32
    %add3A_23 = vector.broadcast %add3A_22 : f32 to vector<10000x1xf32>
    %add3A_24 = arith.addf %slice3A_21, %add3A_23 : vector<10000x1xf32>
    %slice3A_25 = vector.extract_strided_slice %add3A {offsets = [0, 32], sizes = [10000, 16], strides = [1, 1]} : vector<10112x80xf32> to vector<10000x16xf32>
    %div3A_26 = vector.broadcast %add3A_24 : vector<10000x1xf32> to vector<10000x16xf32>
    %div3A_27 = arith.divf %slice3A_25, %div3A_26 : vector<10000x16xf32>
    %slice3A_28 = vector.extract_strided_slice %add3A {offsets = [0, 67], sizes = [10000, 1], strides = [1, 1]} : vector<10112x80xf32> to vector<10000x1xf32>
    %add3A_29 = arith.constant 1.000000e-16 : f32
    %add3A_30 = vector.broadcast %add3A_29 : f32 to vector<10000x1xf32>
    %add3A_31 = arith.addf %slice3A_28, %add3A_30 : vector<10000x1xf32>
    %slice3A_32 = vector.extract_strided_slice %add3A {offsets = [0, 48], sizes = [10000, 16], strides = [1, 1]} : vector<10112x80xf32> to vector<10000x16xf32>
    %div3A_33 = vector.broadcast %add3A_31 : vector<10000x1xf32> to vector<10000x16xf32>
    %div3A_34 = arith.divf %slice3A_32, %div3A_33 : vector<10000x16xf32>
    %concatenate3A = tpu.concatenate %div3A_13, %div3A_20, %div3A_27, %div3A_34 in 1 : vector<10000x16xf32>, vector<10000x16xf32>, vector<10000x16xf32>, vector<10000x16xf32> -> vector<10000x64xf32>
    %get3A_35 = arith.constant 0 : index
    %get3A_36 = arith.constant 0 : index
    %get3A_37 = vector.load %arg1[%get3A_35, %get3A_36] : memref<1x64xf32, #tpu.memory_space<vmem>>, vector<1x64xf32>
    %add3A_38 = vector.broadcast %get3A_37 : vector<1x64xf32> to vector<10000x64xf32>
    %add3A_39 = arith.addf %concatenate3A, %add3A_38 : vector<10000x64xf32>
    %reduce_max3A = arith.constant dense<0xFF800000> : vector<10000xf32>
    %reduce_max3A_40 = vector.multi_reduction <maximumf>, %add3A_39, %reduce_max3A [1] : vector<10000x64xf32> to vector<10000xf32>
    %broadcast_in_dim3A = vector.shape_cast %reduce_max3A_40 : vector<10000xf32> to vector<10000x1xf32>
    %sub3A = vector.broadcast %broadcast_in_dim3A : vector<10000x1xf32> to vector<10000x64xf32>
    %sub3A_41 = arith.subf %add3A_39, %sub3A : vector<10000x64xf32>
    %exp3A = math.exp %sub3A_41 : vector<10000x64xf32>
    %reduce_sum3A = arith.constant dense<0.000000e+00> : vector<10000xf32>
    %reduce_sum3A_42 = vector.multi_reduction <add>, %exp3A, %reduce_sum3A [1] : vector<10000x64xf32> to vector<10000xf32>
    %broadcast_in_dim3A_43 = vector.shape_cast %reduce_sum3A_42 : vector<10000xf32> to vector<10000x1xf32>
    %log3A = math.log %broadcast_in_dim3A_43 : vector<10000x1xf32>
    %sub3A_44 = vector.broadcast %log3A : vector<10000x1xf32> to vector<10000x64xf32>
    %sub3A_45 = arith.subf %sub3A_41, %sub3A_44 : vector<10000x64xf32>
    %swap3A = arith.constant 0 : index
    %swap3A_46 = arith.constant 0 : index
    %swap3A_47 = vector.load %arg2[%swap3A, %swap3A_46] : memref<10000x64xf32, #tpu.memory_space<vmem>>, vector<10000x64xf32>
    tpu.vector_store %arg2[%swap3A, %swap3A_46], %sub3A_45 {strides = array<i32>} : memref<10000x64xf32, #tpu.memory_space<vmem>>, vector<10000x64xf32>,
    return
  }
}

</mosaic_0001>

<sc_bundles>
// kernel: kernel.11.cloned.1.call-start
scs
__scs_entry_jumppad:
0x0: {  	(pc) =	sbr.rel $0x88, $3  }
0x1: {  	(tag) =	ssettag $0x0;
	lr =	simm.s32 $0x1  }
0x2: {  	[smem:$0x3F8F] =	sst lr;
	_ =	strace $0xD0000000  }
0x3: {  	_ = 	snop  }
0x4: {  	_ = 	snop  }
0x5: {  	_ = 	snop  }
0x6: {  	_ = 	snop  }
0x7: {  	_ = 	snop  }
__scs_overlays_trampoline_lowered:
0x8: {  	[smem:$0x3F9E] =	sst s0  }
0x9: {  	[smem:$0x3F9F] =	sst s1  }
0xa: {  	[smem:$0x3FA0] =	sst s2  }
0xb: {  	[smem:$0x3FA1] =	sst s3  }
0xc: {  	[smem:$0x3FA2] =	sst s4  }
0xd: {  	[smem:$0x3FA3] =	sst s5  }
0xe: {  	[smem:$0x3FA4] =	sst s6  }
0xf: {  	[smem:$0x3FA5] =	sst s7  }
0x10: {  	[smem:$0x3FA6] =	sst s8  }
0x11: {  	[smem:$0x3FA7] =	sst s9;
	s0 =	simm.s32 @!p0 $0x0  }
0x12: {  	s1 =	sld [smem:$0x3F8D];
	s0 =	simm.s32 @p0 $0x1  }
0x13: {  	[smem:$0x3FA8] =	sst s0;
	s0 =	simm.s32 @!p1 $0x0  }
0x14: {  	s2 =	sld [smem:$0x3F8C];
	s0 =	simm.s32 @p1 $0x1  }
0x15: {  	[smem:$0x3FA9] =	sst s0;
	s0 =	simm.s32 @!p2 $0x0  }
0x16: {  	s3 =	sld [smem:$0x3FDB];
	s0 =	simm.s32 @p2 $0x1  }
0x17: {  	s4 =	simm.s32 $0x1BF5;
	[smem:$0x3FAB] =	sst s0  }
0x18: {  	s0 =	sld [smem:$0x3F8E];
	_ =	swait.ge [sflag:s4], $0x0  }
0x19: {  	s7 =	sld [smem:$0x3F8F]  }
0x1a: {  	s8 =	sadd.s32 $0xFFFFE003, lr  }
0x1b: {  	s9 =	sadd.s32 $0xFFFFFEF7, lr;
	s5 =	simm.s32 $0xFFFFFFFF;
	p2 =	slt.u32 s8, $0xFFFFF086  }
0x1c: {  	p1 =	slt.u32 s9, $0xF7A;
	s5 =	simm.s32 @!p2 $0x0  }
0x1d: {  	s5 =	simm.s32 @p1 $0x1;
	p0 =	seq.s32 s7, s2  }
0x1e: {  	s7 =	smul.u32 @!p0 $0xF7A, s2;
	p2 =	seq.s32 @!p0 s5, $0x0  }
0x1f: {  	s9 =	smul.u32 $0xF7A, s1;
	s8 =	simm.s32 @!p0 $0x1BF5;
	p2 =	por !p2, p0  }
0x20: {  	[sflag:s8] =	ssyncset.s32 @!p0 $0xFFFFF086;
	s6 =	sadd.s32 @!p0 s3, s7;
	s7 =	simm.s32 @!p0 $0x108  }
0x21: {  	s3 =	sadd.s32 s3, s9;
	s6 =	sadd.s32 @!p0 $0x88, s6;
	s7 =	simm.s32 @p2 $0x1082  }
0x22: {  	[simem:s7], [sflag:s8] =	dma.local @!p0 [hbm:s6], $0xF7A  }
0x23: {  	s9 =	sor.u32 $0xD0000000, s2;
	s6 =	simm.s32 $0x108;
	_ =	swait.ge @!p0 [sflag:s8], $0x0  }
0x24: {  	s3 =	sadd.s32 $0x88, s3;
	s6 =	simm.s32 @!p1 $0x1082;
	[sflag:s4] =	ssyncset.s32 $0xFFFFF086  }
0x25: {  	[simem:s6], [sflag:s4] =	dma.local [hbm:s3], $0xF7A  }
0x26: {  	[smem:$0x3F8F] =	sst s1;
	(tag) =	ssettag s2;
	_ =	strace s9  }
0x27: {  	s1 =	sld [smem:$0x3F9F]  }
0x28: {  	s2 =	sld [smem:$0x3FA0]  }
0x29: {  	s4 =	sld [smem:$0x3FA2]  }
0x2a: {  	p0 =	seq.s32 s5, $0x0;
	s5 =	sld [smem:$0x3FA3]  }
0x2b: {  	s6 =	sld [smem:$0x3FA4]  }
0x2c: {  	s7 =	sld [smem:$0x3FA5]  }
0x2d: {  	s3 =	simm.s32 $0x108;
	s8 =	sld [smem:$0x3FA6]  }
0x2e: {  	s3 =	simm.s32 @!p0 $0x1082;
	s9 =	sld [smem:$0x3FA7]  }
0x2f: {  	lr =	sadd.s32 s0, s3;
	s0 =	sld [smem:$0x3F9E]  }
0x30: {  	s3 =	sld [smem:$0x3FA1]  }
0x31: {  	[smem:$0x3FAA] =	sst s10  }
0x32: {  	s10 =	sld [smem:$0x3FA8];
	_ =	sdelay $0x3  }
0x33: {  	p0 =	seq.s32 s10, $0x1;
	s10 =	sld [smem:$0x3FAA];
	_ =	sdelay $0x3  }
0x34: {  	[smem:$0x3FAA] =	sst s10  }
0x35: {  	s10 =	sld [smem:$0x3FA9];
	_ =	sdelay $0x3  }
0x36: {  	p1 =	seq.s32 s10, $0x1;
	s10 =	sld [smem:$0x3FAA];
	_ =	sdelay $0x3  }
0x37: {  	[smem:$0x3FAA] =	sst s10  }
0x38: {  	s10 =	sld [smem:$0x3FAB]  }
0x39: {  	_ = 	snop;
	(pc) =	sbr.ind lr, $3  }
0x3a: {  	_ = 	snop  }
0x3b: {  	_ = 	snop  }
0x3c: {  	p2 =	seq.s32 s10, $0x1;
	s10 =	sld [smem:$0x3FAA]  }
0x3d: {  	_ =	shalt  }
0x3e: {  	_ =	shalt  }
0x3f: {  	_ =	shalt  }
0x40: {  	_ =	shalt  }
0x41: {  	_ =	shalt  }
0x42: {  	_ =	shalt  }
0x43: {  	_ =	shalt  }
0x44: {  	_ =	shalt  }
0x45: {  	_ =	shalt  }
0x46: {  	_ =	shalt  }
0x47: {  	_ =	shalt  }
0x48: {  	_ =	shalt  }
0x49: {  	_ =	shalt  }
0x4a: {  	_ =	shalt  }
0x4b: {  	_ =	shalt  }
0x4c: {  	_ =	shalt  }
0x4d: {  	_ =	shalt  }
0x4e: {  	_ =	shalt  }
0x4f: {  	_ =	shalt  }
0x50: {  	_ =	shalt  }
0x51: {  	_ =	shalt  }
0x52: {  	_ =	shalt  }
0x53: {  	_ =	shalt  }
0x54: {  	_ =	shalt  }
0x55: {  	_ =	shalt  }
0x56: {  	_ =	shalt  }
0x57: {  	_ =	shalt  }
0x58: {  	_ =	shalt  }
0x59: {  	_ =	shalt  }
0x5a: {  	_ =	shalt  }
0x5b: {  	_ =	shalt  }
0x5c: {  	_ =	shalt  }
0x5d: {  	_ =	shalt  }
0x5e: {  	_ =	shalt  }
0x5f: {  	_ =	shalt  }
0x60: {  	_ =	shalt  }
0x61: {  	_ =	shalt  }
0x62: {  	_ =	shalt  }
0x63: {  	_ =	shalt  }
0x64: {  	_ =	shalt  }
0x65: {  	_ =	shalt  }
0x66: {  	_ =	shalt  }
0x67: {  	_ =	shalt  }
0x68: {  	_ =	shalt  }
0x69: {  	_ =	shalt  }
0x6a: {  	_ =	shalt  }
0x6b: {  	_ =	shalt  }
0x6c: {  	_ =	shalt  }
0x6d: {  	_ =	shalt  }
0x6e: {  	_ =	shalt  }
0x6f: {  	_ =	shalt  }
0x70: {  	_ =	shalt  }
0x71: {  	_ =	shalt  }
0x72: {  	_ =	shalt  }
0x73: {  	_ =	shalt  }
0x74: {  	_ =	shalt  }
0x75: {  	_ =	shalt  }
0x76: {  	_ =	shalt  }
0x77: {  	_ =	shalt  }
0x78: {  	_ =	shalt  }
0x79: {  	_ =	shalt  }
0x7a: {  	_ =	shalt  }
0x7b: {  	_ =	shalt  }
0x7c: {  	_ =	shalt  }
0x7d: {  	_ =	shalt  }
0x7e: {  	_ =	shalt  }
0x7f: {  	_ =	shalt  }
0x80: {  	_ =	shalt  }
0x81: {  	_ =	shalt  }
0x82: {  	_ =	shalt  }
0x83: {  	_ =	shalt  }
0x84: {  	_ =	shalt  }
0x85: {  	_ =	shalt  }
0x86: {  	_ =	shalt  }
0x87: {  	_ =	shalt  }
.Lfunc_end0:
.L_simem_size_0:
called_computation.1_lowered:
.L_overlay_start_0:
0x88: {  	s2 =	sld [smem:$0x3FD9]  }
0x89: {  	s3 =	sld [smem:$0x3FFE];
	_ =	sdelay $0x1  }
0x8a: {  	s1 =	srdreg.scid  }
0x8b: {  	s0 =	sand.u32 $0x1, s1  }
0x8c: {  	s17 =	sshll.u32 s0, $0xA;
	s2 =	sadd.s32 s3, s2  }
0x8d: {  	s2 =	sadd.s32 s2, s17  }
0x8e: {  	[smem:$0x3FB6] =	sst s2  }
0x8f: {  	_ = 	snop  }
0x90: {  	s2 =	sld [smem:$0x3FD0];
	(tm) =	ssettm $0x1  }
0x91: {  	s18 =	sld [smem:$0x3FFB];
	_ =	sdelay $0x3  }
0x92: {  	_ =	strace s18  }
0x93: {  	s3 =	sld [smem:$0x3FFC];
	_ =	sdelay $0x3  }
0x94: {  	_ =	strace s3  }
0x95: {  	s3 =	sld [smem:$0x3FFD];
	_ =	sdelay $0x3  }
0x96: {  	_ =	strace s3  }
0x97: {  	_ =	strace $0x8FFFFFFF  }
0x98: {  	s19 =	sld [smem:$0x3FDB];
	_ =	sdelay $0x1  }
0x99: {  	s4 =	simm.s32 $_scs_section_size  }
0x9a: {  	s5 =	simm.s32 $_size__tile_overlayer_lowered;
	s6 =	simm.s32 $_tile_overlayer_lowered  }
0x9b: {  	s22 =	simm.s32 $0x1BFF;
	s21 =	sshll.u32 s6, $0x1;
	s3 =	sadd.s32 s4, s19  }
0x9c: {  	s7 =	simm.s32 $0x0;
	s20 =	sshll.u32 s5, $0x1;
	s5 =	sadd.s32 s21, s3  }
0x9d: {  	[timem:s7], [sflag:s22] =	dma.local [hbm:s5], s20  }
0x9e: {  	_ =	swait.ge [sflag:s22], s20  }
0x9f: {  	s4 =	ssub.s32 $0x0, s20;
	[sflag:s22] =	ssyncset.done $0x0  }
0xa0: {  	[sflag:s22] =	ssyncadd.s32 s4;
	_ =	sdelay $0x1  }
0xa1: {  	s23 =	simm.s32 $0x1B8B  }
0xa2: {  	_ =	swait.ge [sflag:s23], $0x1  }
0xa3: {  	[sflag:s23] =	ssyncset.done $0x0  }
0xa4: {  	s25 =	simm.s32 $0x1B8E;
	s24 =	sld [smem:$0x3FFE];
	[sflag:s23] =	ssyncadd.s32 $0xFFFFFFFF  }
0xa5: {  	s26 =	simm.s32 $execute0_lowered;
	[smem:$0x3FD2] =	sst s25  }
0xa6: {  	s5 =	sshll.u32 s26, $0x1;
	_ =	strace $0x80000049;
	[dreg:$0x1] =	wrdreg $0xFFFFFFFF  }
0xa7: {  	s28 =	simm.s32 $_size_execute0_lowered;
	s3 =	sadd.s32 s3, s5;
	[dreg:$0x0] =	wrdreg $0x0  }
0xa8: {  	s5 =	sshll.u32 s28, $0x1;
	[dreg:$0x2] =	wrdreg s3  }
0xa9: {  	[dreg:$0x3] =	wrdreg s5  }
0xaa: {  	[dreg:$0x4] =	wrdreg $0xC0  }
0xab: {  	_ =	task [dreg:s7], $0x5FFFF  }
0xac: {  	[dreg:$0x1] =	wrdreg $0xFFFFFFFF  }
0xad: {  	[dreg:$0x0] =	wrdreg $0x60  }
0xae: {  	[dreg:$0x2] =	wrdreg s2  }
0xaf: {  	[dreg:$0x3] =	wrdreg s24  }
0xb0: {  	[dreg:$0x4] =	wrdreg $0x30800  }
0xb1: {  	[dreg:$0x5] =	wrdreg $0x9  }
0xb2: {  	_ =	task.clear_ibuf [dreg:s7], $0x6FFFF;
	_ =	strace $0x90000049  }
0xb3: {  	s29 =	simm.s32 $0x9;
	_ =	strace $0x8000004B  }
0xb4: {  	_ =	swait.ge [sflag:s29], $0x1  }
0xb5: {  	[sflag:s29] =	ssyncadd.s32 $0xFFFFFFFF  }
0xb6: {  	_ =	strace $0x9000004B  }
0xb7: {  	_ =	sfence  }
0xb8: {  	s30 =	sld [smem:$0x0];
	_ =	sdelay $0x2  }
0xb9: {  	s31 =	sshll.u32 s1, $0xD;
	s1 =	sshrl.u32 s1, $0x2  }
0xba: {  	s3 =	sand.u32 $0x4000, s31;
	s1 =	sadd.s32 s1, s30  }
0xbb: {  	s0 =	sor.u32 s3, s0;
	s1 =	sshll.u32 s1, $0x11  }
0xbc: {  	s0 =	sor.u32 s1, s0  }
0xbd: {  	s0 =	sadd.s32 $0x8F2B, s0  }
0xbe: {  	[sflag:s0] =	ssyncadd.remote.s32 $0x1  }
0xbf: {  	_ =	sfence.sel $0xFFFF  }
0xc0: {  	[dreg:$0x0] =	wrdreg $0xFFFFFFFF;
	(pc) =	sbr.abs _section_cstart, $3  }
0xc1: {  	[dreg:$0x1] =	wrdreg $0xFFFFFFFF  }
0xc2: {  	_ =	task.clear_ibuf [dreg:s7], $0x2FFFF;
	_ =	strace $0x9FFFFFFF  }
0xc3: {  	(tm) =	ssettm $0x7FFFFFFF  }
tec
execute0_lowered:
.L_overlay_start_1:
0x0: {  	(tag) =	ssettag $0x1  }
0x1: {  	s1 =	rddreg [dreg:$0x0]  }
0x2: {  	s8 =	rddreg [dreg:$0x1]  }
0x3: {  	s2 =	rddreg [dreg:$0x2];
	v0 =	vlaneseq.u32  }
0x4: {  	s0 =	rddreg [dreg:$0x3];
	v0 =	vmul.u32 $0x10, v0  }
0x5: {  	s4 =	simm.s32 $0x0;
	s3 =	stileid.u32;
	s6 =	srdreg.scid  }
0x6: {  	v1 =	vimm.f32 $0.0e+00;
	s16 =	simm.s32 $0x80;
	s17 =	simm.s32 $0x480;
	s18 =	simm.s32 $0x880;
	v2 =	vor.u32 $0x4, v0  }
0x7: {  	s19 =	simm.s32 $0x2C80;
	s20 =	simm.s32 $0x1880;
	[smem:$0x7FF] =	sst s4;
	v3 =	vor.u32 $0x1, v0;
	v4 =	vor.u32 $0x5, v0;
	v5 =	vor.u32 $0x2, v0  }
0x8: {  	s9 =	smul.u32 $0xC580, s3;
	s5 =	sadd.s32 $0x16400, s8;
	s10 =	sand.u32 $0x1, s6;
	v6 =	vor.u32 $0x6, v0;
	v7 =	vor.u32 $0x3, v0;
	v8 =	vor.u32 $0x7, v0  }
0x9: {  	s11 =	smul.u32 $0x18B0, s3;
	s6 =	sadd.s32 $0xC600, s8;
	s7 =	sadd.s32 $0x2800, s8;
	v9 =	vor.u32 $0x100, v0;
	v10 =	vor.u32 $0x104, v0;
	v11 =	vor.u32 $0x101, v0  }
0xa: {  	s15 =	sshll.u32 s3, $0x1;
	s31 =	sshll.u32 s3, $0x6;
	_ =	strace $0x8000004A;
	v12 =	vor.u32 $0x105, v0;
	v13 =	vor.u32 $0x102, v0;
	v14 =	vor.u32 $0x106, v0  }
0xb: {  	s13 =	smul.u32 $0x18B00, s10;
	s14 =	ssub.s32 $0x2, s10;
	s10 =	sor.u32 s10, s15;
	v15 =	vor.u32 $0x103, v0;
	v16 =	vor.u32 $0x107, v0;
	v17 =	vor.u32 $0x200, v0  }
0xc: {  	s15 =	simm.s32 $0x40;
	s12 =	sshrl.u32 s9, $0x3;
	s29 =	sshrl.u32 s14, $0x1;
	v18 =	vor.u32 $0x204, v0;
	v19 =	vor.u32 $0x201, v0;
	v20 =	vor.u32 $0x205, v0  }
0xd: {  	s30 =	sadd.s32 s9, s2;
	s9 =	sor.u32 $0x1C01, s31;
	s10 =	smul.u32 $0x2740, s10;
	v21 =	vor.u32 $0x202, v0;
	v22 =	vor.u32 $0x206, v0;
	v23 =	vor.u32 $0x203, v0  }
0xe: {  	v24 =	vor.u32 $0x207, v0;
	v25 =	vor.u32 $0x300, v0;
	v26 =	vor.u32 $0x304, v0;
	s12 =	sadd.s32 s12, s8;
	s11 =	sadd.s32 s11, s13;
	s13 =	ssub.s32 s14, s29  }
0xf: {  	v27 =	vor.u32 $0x301, v0;
	v28 =	vor.u32 $0x305, v0;
	v29 =	vor.u32 $0x302, v0;
	s14 =	simm.s32 $0x1;
	s11 =	sadd.s32 s11, s8;
	s8 =	sadd.s32 $0x1B400, s12  }
0x10: {  	v30 =	vor.u32 $0x306, v0;
	v31 =	vor.u32 $0x303, v0;
	v32 =	vor.u32 $0x307, v0;
	s12 =	smax.u32 s13, $0x1;
	s13 =	sshrl.u32 s30, $0x3;
	s11 =	sadd.s32 $0x34000, s11  }
.LBB2_1:
0x11: {  	s21 =	simm.s32 $0x40;
	s22 =	simm.s32 $0x0  }
.LBB2_2:
0x12: {  	p0 =	sne.s32 s21, $0xFC0;
	[tilespmem:s22+$0x2C80] =	vst v1;
	s22 =	smov.u32 s21;
	s21 =	sadd.s32 $0x40, s21  }
.Ltmp0:
0x13: {  	(pc) =	sbr.rel @p0 .LBB2_2-.Ltmp0, $2  }
0x14: {  	_ =	sdelay $0x2  }
0x15: {  	s22 =	sshra.s32 s22, $0x2  }
0x16: {  	[tilespmem:s22+$0x2C80] =	vst v1  }
0x17: {  	[spmem:s13], [sflag:s9] =	dma.local [hbm:s8], $0x18B0  }
0x18: {  	_ =	swait.ge [sflag:s14], $0x18B0  }
0x19: {  	[sflag:s14] =	ssyncset.done $0x0  }
0x1a: {  	[sflag:s14] =	ssyncadd.s32 $0xFFFFE750  }
0x1b: {  	s21 =	simm.s32 $0x0;
	s22 =	simm.s32 $0x0;
	[bflag:$0x0] =	sbarrier.arrive $0xFFFF  }
.LBB2_4:
0x1c: {  	s23 =	sshll.u32 s22, $0x6  }
0x1d: {  	s23 =	sadd.s32 s10, s23  }
0x1e: {  	s23 =	sshrl.u32 s23, $0x3  }
0x1f: {  	s24 =	sadd.s32 s6, s23  }
0x20: {  	[tilespmem:s21], [sflag:$0x1] =	stream.linear.gather [hbm4b:s24+s21], $0x40, $0x38;
	[tilespmem:$0xF600] =	vst v63  }
0x21: {  	_ =	swait.ge [sflag:s14], $0x40  }
0x22: {  	[sflag:s14] =	ssyncset.done $0x0  }
0x23: {  	s23 =	sadd.s32 s7, s23;
	[sflag:s14] =	ssyncadd.s32 $0xFFFFFFC0  }
0x24: {  	[tilespmem:s15], [sflag:$0x1] =	stream.linear.gather [hbm4b:s23+s21], $0x40, $0x38;
	[tilespmem:$0xF600] =	vst v63  }
0x25: {  	_ =	swait.ge [sflag:s14], $0x40  }
0x26: {  	[sflag:s14] =	ssyncset.done $0x0  }
0x27: {  	[sflag:s14] =	ssyncadd.s32 $0xFFFFFFC0  }
0x28: {  	[tilespmem:s16], [sflag:$0x1] =	stream.indirect.gather [hbm4b:s5+s15], $0x10, s21, s15, $0xb8;
	[tilespmem:$0xF600] =	vst v63  }
0x29: {  	_ =	swait.ge [sflag:s14], $0x400  }
0x2a: {  	[sflag:s14] =	ssyncset.done $0x0  }
0x2b: {  	[sflag:s14] =	ssyncadd.s32 $0xFFFFFC00  }
0x2c: {  	[tilespmem:s17], [sflag:$0x1] =	stream.indirect.gather [hbm4b:s5+s15], $0x10, s15, s15, $0xb8;
	[tilespmem:$0xF600] =	vst v63  }
0x2d: {  	_ =	swait.ge [sflag:s14], $0x400  }
0x2e: {  	[sflag:s14] =	ssyncset.done $0x0  }
0x2f: {  	[sflag:s14] =	ssyncadd.s32 $0xFFFFFC00  }
0x30: {  	[tilespmem:s18], [sflag:$0x1] =	stream.indirect.gather [hbm4b:s1+s15], $0x40, s21, s15, $0xb8;
	[tilespmem:$0xF600] =	vst v63  }
0x31: {  	_ =	swait.ge [sflag:s14], $0x1000  }
0x32: {  	[sflag:s14] =	ssyncset.done $0x0  }
0x33: {  	[sflag:s14] =	ssyncadd.s32 $0xFFFFF000  }
0x34: {  	v33 =	vld.idx.msk [tilespmem:v0+s16+$0x0], $0xffff  }
0x35: {  	v34 =	vld.idx.msk [tilespmem:v2+s17+$0x0], $0xffff;
	_ =	sdelay $0x4  }
0x36: {  	v33 =	vadd.f32 v34, v33;
	_ =	sdelay $0x1  }
0x37: {  	v34 =	vmul.f32 $2.000000030e-01, v33;
	_ =	sdelay $0x1  }
0x38: {  	v33 =	vmax.f32 v33, v34  }
0x39: {  	v33 =	vmul.f32 $1.442695020e+00, v33;
	_ =	sdelay $0x1  }
0x3a: {  	(erf) = vpow2.f32 v33;
	_ =	sdelay $0x8  }
0x3b: {  	v33 =	vpop (erf)  }
0x3c: {  	[tilespmem:v0+s19+$0x0] =	vst.idx.msk $0xffff, v33  }
0x3d: {  	v33 =	vld.idx.msk [tilespmem:v3+s16+$0x0], $0xffff  }
0x3e: {  	v46 =	vld.idx.msk [tilespmem:v4+s17+$0x0], $0xffff;
	_ =	sdelay $0x4  }
0x3f: {  	v33 =	vadd.f32 v46, v33;
	_ =	sdelay $0x1  }
0x40: {  	v34 =	vmul.f32 $2.000000030e-01, v33;
	_ =	sdelay $0x1  }
0x41: {  	v33 =	vmax.f32 v33, v34  }
0x42: {  	v33 =	vmul.f32 $1.442695020e+00, v33;
	_ =	sdelay $0x1  }
0x43: {  	(erf) = vpow2.f32 v33;
	_ =	sdelay $0x8  }
0x44: {  	v33 =	vpop (erf)  }
0x45: {  	[tilespmem:v3+s19+$0x0] =	vst.idx.msk $0xffff, v33  }
0x46: {  	v33 =	vld.idx.msk [tilespmem:v5+s16+$0x0], $0xffff  }
0x47: {  	v47 =	vld.idx.msk [tilespmem:v6+s17+$0x0], $0xffff;
	_ =	sdelay $0x4  }
0x48: {  	v33 =	vadd.f32 v47, v33;
	_ =	sdelay $0x1  }
0x49: {  	v34 =	vmul.f32 $2.000000030e-01, v33;
	_ =	sdelay $0x1  }
0x4a: {  	v33 =	vmax.f32 v33, v34  }
0x4b: {  	v33 =	vmul.f32 $1.442695020e+00, v33;
	_ =	sdelay $0x1  }
0x4c: {  	(erf) = vpow2.f32 v33;
	_ =	sdelay $0x8  }
0x4d: {  	v33 =	vpop (erf)  }
0x4e: {  	[tilespmem:v5+s19+$0x0] =	vst.idx.msk $0xffff, v33  }
0x4f: {  	v33 =	vld.idx.msk [tilespmem:v7+s16+$0x0], $0xffff  }
0x50: {  	v48 =	vld.idx.msk [tilespmem:v8+s17+$0x0], $0xffff;
	_ =	sdelay $0x4  }
0x51: {  	v33 =	vadd.f32 v48, v33;
	_ =	sdelay $0x1  }
0x52: {  	v34 =	vmul.f32 $2.000000030e-01, v33;
	_ =	sdelay $0x1  }
0x53: {  	v33 =	vmax.f32 v33, v34  }
0x54: {  	v33 =	vmul.f32 $1.442695020e+00, v33;
	_ =	sdelay $0x1  }
0x55: {  	(erf) = vpow2.f32 v33;
	_ =	sdelay $0x8  }
0x56: {  	v33 =	vpop (erf)  }
0x57: {  	[tilespmem:v7+s19+$0x0] =	vst.idx.msk $0xffff, v33  }
0x58: {  	v33 =	vld.idx.msk [tilespmem:v9+s16+$0x0], $0xffff  }
0x59: {  	v49 =	vld.idx.msk [tilespmem:v10+s17+$0x0], $0xffff;
	_ =	sdelay $0x4  }
0x5a: {  	v33 =	vadd.f32 v49, v33;
	_ =	sdelay $0x1  }
0x5b: {  	v34 =	vmul.f32 $2.000000030e-01, v33;
	_ =	sdelay $0x1  }
0x5c: {  	v33 =	vmax.f32 v33, v34  }
0x5d: {  	v33 =	vmul.f32 $1.442695020e+00, v33;
	_ =	sdelay $0x1  }
0x5e: {  	(erf) = vpow2.f32 v33;
	_ =	sdelay $0x8  }
0x5f: {  	v33 =	vpop (erf)  }
0x60: {  	[tilespmem:v9+s19+$0x0] =	vst.idx.msk $0xffff, v33  }
0x61: {  	v33 =	vld.idx.msk [tilespmem:v11+s16+$0x0], $0xffff  }
0x62: {  	v50 =	vld.idx.msk [tilespmem:v12+s17+$0x0], $0xffff;
	_ =	sdelay $0x4  }
0x63: {  	v33 =	vadd.f32 v50, v33;
	_ =	sdelay $0x1  }
0x64: {  	v34 =	vmul.f32 $2.000000030e-01, v33;
	_ =	sdelay $0x1  }
0x65: {  	v33 =	vmax.f32 v33, v34  }
0x66: {  	v33 =	vmul.f32 $1.442695020e+00, v33;
	_ =	sdelay $0x1  }
0x67: {  	(erf) = vpow2.f32 v33;
	_ =	sdelay $0x8  }
0x68: {  	v33 =	vpop (erf)  }
0x69: {  	[tilespmem:v11+s19+$0x0] =	vst.idx.msk $0xffff, v33  }
0x6a: {  	v33 =	vld.idx.msk [tilespmem:v13+s16+$0x0], $0xffff  }
0x6b: {  	v51 =	vld.idx.msk [tilespmem:v14+s17+$0x0], $0xffff;
	_ =	sdelay $0x4  }
0x6c: {  	v33 =	vadd.f32 v51, v33;
	_ =	sdelay $0x1  }
0x6d: {  	v34 =	vmul.f32 $2.000000030e-01, v33;
	_ =	sdelay $0x1  }
0x6e: {  	v33 =	vmax.f32 v33, v34  }
0x6f: {  	v33 =	vmul.f32 $1.442695020e+00, v33;
	_ =	sdelay $0x1  }
0x70: {  	(erf) = vpow2.f32 v33;
	_ =	sdelay $0x8  }
0x71: {  	v33 =	vpop (erf)  }
0x72: {  	[tilespmem:v13+s19+$0x0] =	vst.idx.msk $0xffff, v33  }
0x73: {  	v33 =	vld.idx.msk [tilespmem:v15+s16+$0x0], $0xffff  }
0x74: {  	v52 =	vld.idx.msk [tilespmem:v16+s17+$0x0], $0xffff;
	_ =	sdelay $0x4  }
0x75: {  	v33 =	vadd.f32 v52, v33;
	_ =	sdelay $0x1  }
0x76: {  	v34 =	vmul.f32 $2.000000030e-01, v33;
	_ =	sdelay $0x1  }
0x77: {  	v33 =	vmax.f32 v33, v34  }
0x78: {  	v33 =	vmul.f32 $1.442695020e+00, v33;
	_ =	sdelay $0x1  }
0x79: {  	(erf) = vpow2.f32 v33;
	_ =	sdelay $0x8  }
0x7a: {  	v33 =	vpop (erf)  }
0x7b: {  	[tilespmem:v15+s19+$0x0] =	vst.idx.msk $0xffff, v33  }
0x7c: {  	v33 =	vld.idx.msk [tilespmem:v17+s16+$0x0], $0xffff  }
0x7d: {  	v53 =	vld.idx.msk [tilespmem:v18+s17+$0x0], $0xffff;
	_ =	sdelay $0x4  }
0x7e: {  	v33 =	vadd.f32 v53, v33;
	_ =	sdelay $0x1  }
0x7f: {  	v34 =	vmul.f32 $2.000000030e-01, v33;
	_ =	sdelay $0x1  }
0x80: {  	v33 =	vmax.f32 v33, v34  }
0x81: {  	v33 =	vmul.f32 $1.442695020e+00, v33;
	_ =	sdelay $0x1  }
0x82: {  	(erf) = vpow2.f32 v33;
	_ =	sdelay $0x8  }
0x83: {  	v33 =	vpop (erf)  }
0x84: {  	[tilespmem:v17+s19+$0x0] =	vst.idx.msk $0xffff, v33  }
0x85: {  	v33 =	vld.idx.msk [tilespmem:v19+s16+$0x0], $0xffff  }
0x86: {  	v54 =	vld.idx.msk [tilespmem:v20+s17+$0x0], $0xffff;
	_ =	sdelay $0x4  }
0x87: {  	v33 =	vadd.f32 v54, v33;
	_ =	sdelay $0x1  }
0x88: {  	v34 =	vmul.f32 $2.000000030e-01, v33;
	_ =	sdelay $0x1  }
0x89: {  	v33 =	vmax.f32 v33, v34  }
0x8a: {  	v33 =	vmul.f32 $1.442695020e+00, v33;
	_ =	sdelay $0x1  }
0x8b: {  	(erf) = vpow2.f32 v33;
	_ =	sdelay $0x8  }
0x8c: {  	v33 =	vpop (erf)  }
0x8d: {  	[tilespmem:v19+s19+$0x0] =	vst.idx.msk $0xffff, v33  }
0x8e: {  	v33 =	vld.idx.msk [tilespmem:v21+s16+$0x0], $0xffff  }
0x8f: {  	v55 =	vld.idx.msk [tilespmem:v22+s17+$0x0], $0xffff;
	_ =	sdelay $0x4  }
0x90: {  	v33 =	vadd.f32 v55, v33;
	_ =	sdelay $0x1  }
0x91: {  	v34 =	vmul.f32 $2.000000030e-01, v33;
	_ =	sdelay $0x1  }
0x92: {  	v33 =	vmax.f32 v33, v34  }
0x93: {  	v33 =	vmul.f32 $1.442695020e+00, v33;
	_ =	sdelay $0x1  }
0x94: {  	(erf) = vpow2.f32 v33;
	_ =	sdelay $0x8  }
0x95: {  	v33 =	vpop (erf)  }
0x96: {  	[tilespmem:v21+s19+$0x0] =	vst.idx.msk $0xffff, v33  }
0x97: {  	v33 =	vld.idx.msk [tilespmem:v23+s16+$0x0], $0xffff  }
0x98: {  	v56 =	vld.idx.msk [tilespmem:v24+s17+$0x0], $0xffff;
	_ =	sdelay $0x4  }
0x99: {  	v33 =	vadd.f32 v56, v33;
	_ =	sdelay $0x1  }
0x9a: {  	v34 =	vmul.f32 $2.000000030e-01, v33;
	_ =	sdelay $0x1  }
0x9b: {  	v33 =	vmax.f32 v33, v34  }
0x9c: {  	v33 =	vmul.f32 $1.442695020e+00, v33;
	_ =	sdelay $0x1  }
0x9d: {  	(erf) = vpow2.f32 v33;
	_ =	sdelay $0x8  }
0x9e: {  	v33 =	vpop (erf)  }
0x9f: {  	[tilespmem:v23+s19+$0x0] =	vst.idx.msk $0xffff, v33  }
0xa0: {  	v33 =	vld.idx.msk [tilespmem:v25+s16+$0x0], $0xffff  }
0xa1: {  	v57 =	vld.idx.msk [tilespmem:v26+s17+$0x0], $0xffff;
	_ =	sdelay $0x4  }
0xa2: {  	v33 =	vadd.f32 v57, v33;
	_ =	sdelay $0x1  }
0xa3: {  	v34 =	vmul.f32 $2.000000030e-01, v33;
	_ =	sdelay $0x1  }
0xa4: {  	v33 =	vmax.f32 v33, v34  }
0xa5: {  	v33 =	vmul.f32 $1.442695020e+00, v33;
	_ =	sdelay $0x1  }
0xa6: {  	(erf) = vpow2.f32 v33;
	_ =	sdelay $0x8  }
0xa7: {  	v33 =	vpop (erf)  }
0xa8: {  	[tilespmem:v25+s19+$0x0] =	vst.idx.msk $0xffff, v33  }
0xa9: {  	v33 =	vld.idx.msk [tilespmem:v27+s16+$0x0], $0xffff  }
0xaa: {  	v58 =	vld.idx.msk [tilespmem:v28+s17+$0x0], $0xffff;
	_ =	sdelay $0x4  }
0xab: {  	v33 =	vadd.f32 v58, v33;
	_ =	sdelay $0x1  }
0xac: {  	v34 =	vmul.f32 $2.000000030e-01, v33;
	_ =	sdelay $0x1  }
0xad: {  	v33 =	vmax.f32 v33, v34  }
0xae: {  	v33 =	vmul.f32 $1.442695020e+00, v33;
	_ =	sdelay $0x1  }
0xaf: {  	(erf) = vpow2.f32 v33;
	_ =	sdelay $0x8  }
0xb0: {  	v33 =	vpop (erf)  }
0xb1: {  	[tilespmem:v27+s19+$0x0] =	vst.idx.msk $0xffff, v33  }
0xb2: {  	v33 =	vld.idx.msk [tilespmem:v29+s16+$0x0], $0xffff  }
0xb3: {  	v59 =	vld.idx.msk [tilespmem:v30+s17+$0x0], $0xffff;
	_ =	sdelay $0x4  }
0xb4: {  	v33 =	vadd.f32 v59, v33;
	_ =	sdelay $0x1  }
0xb5: {  	v34 =	vmul.f32 $2.000000030e-01, v33;
	_ =	sdelay $0x1  }
0xb6: {  	v33 =	vmax.f32 v33, v34  }
0xb7: {  	v33 =	vmul.f32 $1.442695020e+00, v33;
	_ =	sdelay $0x1  }
0xb8: {  	(erf) = vpow2.f32 v33;
	_ =	sdelay $0x8  }
0xb9: {  	v33 =	vpop (erf)  }
0xba: {  	[tilespmem:v29+s19+$0x0] =	vst.idx.msk $0xffff, v33  }
0xbb: {  	v33 =	vld.idx.msk [tilespmem:v31+s16+$0x0], $0xffff  }
0xbc: {  	v60 =	vld.idx.msk [tilespmem:v32+s17+$0x0], $0xffff;
	_ =	sdelay $0x4  }
0xbd: {  	v33 =	vadd.f32 v60, v33;
	_ =	sdelay $0x1  }
0xbe: {  	v34 =	vmul.f32 $2.000000030e-01, v33;
	_ =	sdelay $0x1  }
0xbf: {  	v33 =	vmax.f32 v33, v34  }
0xc0: {  	v33 =	vmul.f32 $1.442695020e+00, v33;
	_ =	sdelay $0x1  }
0xc1: {  	(erf) = vpow2.f32 v33;
	_ =	sdelay $0x8  }
0xc2: {  	v33 =	vpop (erf)  }
0xc3: {  	s31 =	simm.s32 $0x0;
	[tilespmem:v31+s19+$0x0] =	vst.idx.msk $0xffff, v33  }
0xc4: {  	v33 =	vld [tilespmem:s31+$0x2C80];
	_ =	sdelay $0x3  }
0xc5: {  	s24 =	simm.s32 $0x18A0  }
0xc6: {  	s23 =	simm.s32 $0x8A0;
	[tilespmem:s24+$0x20] =	vst v33  }
0xc7: {  	v61 =	vld [tilespmem:s23+$0xFFFFFFE0];
	_ =	sdelay $0x2  }
0xc8: {  	v35 =	vbroadcast v33, $0x0;
	_ =	sdelay $0x1  }
0xc9: {  	v34 =	vmul.f32 v61, v35;
	_ =	sdelay $0x1  }
0xca: {  	[tilespmem:s24+$0xFFFFFFE0] =	vst v34  }
0xcb: {  	v34 =	vld [tilespmem:s23+$0xFFFFFFF0];
	_ =	sdelay $0x2  }
0xcc: {  	v62 =	vbroadcast v33, $0x1;
	_ =	sdelay $0x1  }
0xcd: {  	v34 =	vmul.f32 v34, v62;
	_ =	sdelay $0x1  }
0xce: {  	[tilespmem:s24+$0xFFFFFFF0] =	vst v34  }
0xcf: {  	v34 =	vld [tilespmem:s23+$0x0];
	_ =	sdelay $0x2  }
0xd0: {  	v63 =	vbroadcast v33, $0x2;
	_ =	sdelay $0x1  }
0xd1: {  	v34 =	vmul.f32 v34, v63;
	_ =	sdelay $0x1  }
0xd2: {  	[tilespmem:s24+$0x0] =	vst v34  }
0xd3: {  	v34 =	vld [tilespmem:s23+$0x10];
	_ =	sdelay $0x2  }
0xd4: {  	v33 =	vbroadcast v33, $0x3;
	_ =	sdelay $0x1  }
0xd5: {  	v33 =	vmul.f32 v34, v33;
	_ =	sdelay $0x1  }
0xd6: {  	s26 =	simm.s32 $0x10;
	s25 =	simm.s32 $0x80;
	[tilespmem:s24+$0x10] =	vst v33  }
.LBB2_5:
0xd7: {  	p0 =	sne.s32 s25, $0xFC0;
	v33 =	vld [tilespmem:s26+$0x2C80];
	_ =	sdelay $0x3  }
0xd8: {  	s24 =	sadd.s32 $0x50, s24  }
0xd9: {  	s23 =	sadd.s32 $0x40, s23;
	[tilespmem:s24+$0x20] =	vst v33;
	v34 =	vbroadcast v33, $0x1;
	v35 =	vbroadcast v33, $0x3  }
0xda: {  	v36 =	vld [tilespmem:s23+$0xFFFFFFE0];
	_ =	sdelay $0x2  }
0xdb: {  	v37 =	vbroadcast v33, $0x0;
	_ =	sdelay $0x1  }
0xdc: {  	v36 =	vmul.f32 v36, v37;
	_ =	sdelay $0x1  }
0xdd: {  	[tilespmem:s24+$0xFFFFFFE0] =	vst v36  }
0xde: {  	v36 =	vld [tilespmem:s23+$0xFFFFFFF0];
	_ =	sdelay $0x4  }
0xdf: {  	v34 =	vmul.f32 v36, v34;
	_ =	sdelay $0x1  }
0xe0: {  	[tilespmem:s24+$0xFFFFFFF0] =	vst v34  }
0xe1: {  	v34 =	vld [tilespmem:s23+$0x0];
	_ =	sdelay $0x2  }
0xe2: {  	v33 =	vbroadcast v33, $0x2;
	_ =	sdelay $0x1  }
0xe3: {  	v33 =	vmul.f32 v34, v33;
	_ =	sdelay $0x1  }
0xe4: {  	[tilespmem:s24+$0x0] =	vst v33  }
0xe5: {  	v33 =	vld [tilespmem:s23+$0x10];
	_ =	sdelay $0x2  }
.Ltmp1:
0xe6: {  	(pc) =	sbr.rel @p0 .LBB2_5-.Ltmp1, $3  }
0xe7: {  	_ = 	snop  }
0xe8: {  	v33 =	vmul.f32 v33, v35;
	_ =	sdelay $0x1  }
0xe9: {  	s26 =	sshra.s32 s25, $0x2;
	s25 =	sadd.s32 $0x40, s25;
	[tilespmem:s24+$0x10] =	vst v33  }
0xea: {  	v33 =	vld [tilespmem:s26+$0x2C80];
	_ =	sdelay $0x3  }
0xeb: {  	s24 =	sadd.s32 $0x50, s24  }
0xec: {  	s23 =	sadd.s32 $0x40, s23;
	[tilespmem:s24+$0x20] =	vst v33  }
0xed: {  	v34 =	vld [tilespmem:s23+$0xFFFFFFE0];
	_ =	sdelay $0x2  }
0xee: {  	v35 =	vbroadcast v33, $0x0;
	_ =	sdelay $0x1  }
0xef: {  	v34 =	vmul.f32 v34, v35;
	_ =	sdelay $0x1  }
0xf0: {  	[tilespmem:s24+$0xFFFFFFE0] =	vst v34  }
0xf1: {  	v34 =	vld [tilespmem:s23+$0xFFFFFFF0];
	_ =	sdelay $0x2  }
0xf2: {  	v62 =	vbroadcast v33, $0x1;
	_ =	sdelay $0x1  }
0xf3: {  	v34 =	vmul.f32 v34, v62;
	_ =	sdelay $0x1  }
0xf4: {  	[tilespmem:s24+$0xFFFFFFF0] =	vst v34  }
0xf5: {  	v34 =	vld [tilespmem:s23+$0x0];
	_ =	sdelay $0x2  }
0xf6: {  	v63 =	vbroadcast v33, $0x2;
	_ =	sdelay $0x1  }
0xf7: {  	v34 =	vmul.f32 v34, v63;
	_ =	sdelay $0x1  }
0xf8: {  	[tilespmem:s24+$0x0] =	vst v34  }
0xf9: {  	v34 =	vld [tilespmem:s23+$0x10];
	_ =	sdelay $0x2  }
0xfa: {  	v33 =	vbroadcast v33, $0x3;
	_ =	sdelay $0x1  }
0xfb: {  	s22 =	sadd.s32 $0x1, s22;
	v33 =	vmul.f32 v34, v33  }
0xfc: {  	p0 =	sne.s32 s22, $0x9D  }
.Ltmp2:
0xfd: {  	[tilespmem:s24+$0x10] =	vst v33;
	(pc) =	sbr.rel @p0 .LBB2_4-.Ltmp2, $4  }
0xfe: {  	[spmem:s2] =	stream.indirect.scatter.add.f32 [tilespmem:s20], [sflag:$0x1], $0x50, s15, s15, $0xb8;
	[tilespmem:$0xF600] =	vst v63  }
0xff: {  	_ =	swait.ge [sflag:s14], $0x1400  }
0x100: {  	[sflag:s14] =	ssyncset.done $0x0  }
0x101: {  	[sflag:s14] =	ssyncadd.s32 $0xFFFFEC00  }
0x102: {  	s4 =	sadd.s32 $0x1, s4  }
0x103: {  	p0 =	sne.s32 s4, s12  }
.Ltmp3:
0x104: {  	[bflag:$0x0] =	sbarrier.arrive $0xFFFF;
	(pc) =	sbr.rel @p0 .LBB2_1-.Ltmp3, $4  }
0x105: {  	[hbm:s11], [sflag:s9] =	dma.local [spmem:s13], $0x18B0  }
0x106: {  	_ =	swait.ge [sflag:s14], $0x18B0  }
0x107: {  	[sflag:s14] =	ssyncset.done $0x0  }
0x108: {  	[sflag:s14] =	ssyncadd.s32 $0xFFFFE750  }
0x109: {  	_ =	sfence.sel $0x180000  }
0x10a: {  	[bflag:$0x0] =	sbarrier.arrive $0xFFFF  }
0x10b: {  	p0 =	sne.s32 s3, $0x0;
	_ =	strace $0x9000004A  }
0x10c: {  	s0 =	sadd.s32 @!p0 $0x100000, s0;
	[bflag:$0x2] =	sbarrier.arrive $0xFFFF  }
0x10d: {  	[sflag:s0] =	ssyncadd.tile.s32 @!p0 $0x1;
	_ =	shalt  }
.Lfunc_end2:
_tile_overlayer_lowered:
.L_overlay_start_2:
0x10e: {  	(tag) =	ssettag $0x2  }
0x10f: {  	s0 =	rddreg [dreg:$0x0];
	s2 =	stileid.u32  }
0x110: {  	s1 =	rddreg [dreg:$0x1];
	p0 =	sne.s32 s2, $0x0  }
0x111: {  	s3 =	rddreg [dreg:$0x2];
	[bflag:$0x3] =	sbarrier.arrive $0xFFFF;
	s2 =	simm.s32 @!p0 $0x1C01  }
0x112: {  	[timem:s3], [sflag:s2] =	dma.local @!p0 [hbm:s0], s1  }
0x113: {  	s0 =	simm.s32 @!p0 $0x1  }
0x114: {  	_ =	swait.ge @!p0 [sflag:s0], s1  }
0x115: {  	s1 =	ssub.s32 @!p0 $0x0, s1;
	[sflag:s0] =	ssyncset.done @!p0 $0x0  }
0x116: {  	[sflag:s0] =	ssyncadd.s32 @!p0 s1  }
0x117: {  	[bflag:$0x3] =	sbarrier.arrive $0xFFFF  }
0x118: {  	_ =	shalt  }

// kernel: kernel.8.cloned.1.call-start
scs
__scs_entry_jumppad:
0x0: {  	(pc) =	sbr.rel $0x88, $3  }
0x1: {  	(tag) =	ssettag $0x0;
	lr =	simm.s32 $0x1  }
0x2: {  	[smem:$0x3F8F] =	sst lr;
	_ =	strace $0xD0000000  }
0x3: {  	_ = 	snop  }
0x4: {  	_ = 	snop  }
0x5: {  	_ = 	snop  }
0x6: {  	_ = 	snop  }
0x7: {  	_ = 	snop  }
__scs_overlays_trampoline_lowered:
0x8: {  	[smem:$0x3F9E] =	sst s0  }
0x9: {  	[smem:$0x3F9F] =	sst s1  }
0xa: {  	[smem:$0x3FA0] =	sst s2  }
0xb: {  	[smem:$0x3FA1] =	sst s3  }
0xc: {  	[smem:$0x3FA2] =	sst s4  }
0xd: {  	[smem:$0x3FA3] =	sst s5  }
0xe: {  	[smem:$0x3FA4] =	sst s6  }
0xf: {  	[smem:$0x3FA5] =	sst s7  }
0x10: {  	[smem:$0x3FA6] =	sst s8  }
0x11: {  	[smem:$0x3FA7] =	sst s9;
	s0 =	simm.s32 @!p0 $0x0  }
0x12: {  	s1 =	sld [smem:$0x3F8D];
	s0 =	simm.s32 @p0 $0x1  }
0x13: {  	[smem:$0x3FA8] =	sst s0;
	s0 =	simm.s32 @!p1 $0x0  }
0x14: {  	s2 =	sld [smem:$0x3F8C];
	s0 =	simm.s32 @p1 $0x1  }
0x15: {  	[smem:$0x3FA9] =	sst s0;
	s0 =	simm.s32 @!p2 $0x0  }
0x16: {  	s3 =	sld [smem:$0x3FDB];
	s0 =	simm.s32 @p2 $0x1  }
0x17: {  	s4 =	simm.s32 $0x1BF5;
	[smem:$0x3FAB] =	sst s0  }
0x18: {  	s0 =	sld [smem:$0x3F8E];
	_ =	swait.ge [sflag:s4], $0x0  }
0x19: {  	s7 =	sld [smem:$0x3F8F]  }
0x1a: {  	s8 =	sadd.s32 $0xFFFFE003, lr  }
0x1b: {  	s9 =	sadd.s32 $0xFFFFFEF7, lr;
	s5 =	simm.s32 $0xFFFFFFFF;
	p2 =	slt.u32 s8, $0xFFFFF086  }
0x1c: {  	p1 =	slt.u32 s9, $0xF7A;
	s5 =	simm.s32 @!p2 $0x0  }
0x1d: {  	s5 =	simm.s32 @p1 $0x1;
	p0 =	seq.s32 s7, s2  }
0x1e: {  	s7 =	smul.u32 @!p0 $0xF7A, s2;
	p2 =	seq.s32 @!p0 s5, $0x0  }
0x1f: {  	s9 =	smul.u32 $0xF7A, s1;
	s8 =	simm.s32 @!p0 $0x1BF5;
	p2 =	por !p2, p0  }
0x20: {  	[sflag:s8] =	ssyncset.s32 @!p0 $0xFFFFF086;
	s6 =	sadd.s32 @!p0 s3, s7;
	s7 =	simm.s32 @!p0 $0x108  }
0x21: {  	s3 =	sadd.s32 s3, s9;
	s6 =	sadd.s32 @!p0 $0x88, s6;
	s7 =	simm.s32 @p2 $0x1082  }
0x22: {  	[simem:s7], [sflag:s8] =	dma.local @!p0 [hbm:s6], $0xF7A  }
0x23: {  	s9 =	sor.u32 $0xD0000000, s2;
	s6 =	simm.s32 $0x108;
	_ =	swait.ge @!p0 [sflag:s8], $0x0  }
0x24: {  	s3 =	sadd.s32 $0x88, s3;
	s6 =	simm.s32 @!p1 $0x1082;
	[sflag:s4] =	ssyncset.s32 $0xFFFFF086  }
0x25: {  	[simem:s6], [sflag:s4] =	dma.local [hbm:s3], $0xF7A  }
0x26: {  	[smem:$0x3F8F] =	sst s1;
	(tag) =	ssettag s2;
	_ =	strace s9  }
0x27: {  	s1 =	sld [smem:$0x3F9F]  }
0x28: {  	s2 =	sld [smem:$0x3FA0]  }
0x29: {  	s4 =	sld [smem:$0x3FA2]  }
0x2a: {  	p0 =	seq.s32 s5, $0x0;
	s5 =	sld [smem:$0x3FA3]  }
0x2b: {  	s6 =	sld [smem:$0x3FA4]  }
0x2c: {  	s7 =	sld [smem:$0x3FA5]  }
0x2d: {  	s3 =	simm.s32 $0x108;
	s8 =	sld [smem:$0x3FA6]  }
0x2e: {  	s3 =	simm.s32 @!p0 $0x1082;
	s9 =	sld [smem:$0x3FA7]  }
0x2f: {  	lr =	sadd.s32 s0, s3;
	s0 =	sld [smem:$0x3F9E]  }
0x30: {  	s3 =	sld [smem:$0x3FA1]  }
0x31: {  	[smem:$0x3FAA] =	sst s10  }
0x32: {  	s10 =	sld [smem:$0x3FA8];
	_ =	sdelay $0x3  }
0x33: {  	p0 =	seq.s32 s10, $0x1;
	s10 =	sld [smem:$0x3FAA];
	_ =	sdelay $0x3  }
0x34: {  	[smem:$0x3FAA] =	sst s10  }
0x35: {  	s10 =	sld [smem:$0x3FA9];
	_ =	sdelay $0x3  }
0x36: {  	p1 =	seq.s32 s10, $0x1;
	s10 =	sld [smem:$0x3FAA];
	_ =	sdelay $0x3  }
0x37: {  	[smem:$0x3FAA] =	sst s10  }
0x38: {  	s10 =	sld [smem:$0x3FAB]  }
0x39: {  	_ = 	snop;
	(pc) =	sbr.ind lr, $3  }
0x3a: {  	_ = 	snop  }
0x3b: {  	_ = 	snop  }
0x3c: {  	p2 =	seq.s32 s10, $0x1;
	s10 =	sld [smem:$0x3FAA]  }
0x3d: {  	_ =	shalt  }
0x3e: {  	_ =	shalt  }
0x3f: {  	_ =	shalt  }
0x40: {  	_ =	shalt  }
0x41: {  	_ =	shalt  }
0x42: {  	_ =	shalt  }
0x43: {  	_ =	shalt  }
0x44: {  	_ =	shalt  }
0x45: {  	_ =	shalt  }
0x46: {  	_ =	shalt  }
0x47: {  	_ =	shalt  }
0x48: {  	_ =	shalt  }
0x49: {  	_ =	shalt  }
0x4a: {  	_ =	shalt  }
0x4b: {  	_ =	shalt  }
0x4c: {  	_ =	shalt  }
0x4d: {  	_ =	shalt  }
0x4e: {  	_ =	shalt  }
0x4f: {  	_ =	shalt  }
0x50: {  	_ =	shalt  }
0x51: {  	_ =	shalt  }
0x52: {  	_ =	shalt  }
0x53: {  	_ =	shalt  }
0x54: {  	_ =	shalt  }
0x55: {  	_ =	shalt  }
0x56: {  	_ =	shalt  }
0x57: {  	_ =	shalt  }
0x58: {  	_ =	shalt  }
0x59: {  	_ =	shalt  }
0x5a: {  	_ =	shalt  }
0x5b: {  	_ =	shalt  }
0x5c: {  	_ =	shalt  }
0x5d: {  	_ =	shalt  }
0x5e: {  	_ =	shalt  }
0x5f: {  	_ =	shalt  }
0x60: {  	_ =	shalt  }
0x61: {  	_ =	shalt  }
0x62: {  	_ =	shalt  }
0x63: {  	_ =	shalt  }
0x64: {  	_ =	shalt  }
0x65: {  	_ =	shalt  }
0x66: {  	_ =	shalt  }
0x67: {  	_ =	shalt  }
0x68: {  	_ =	shalt  }
0x69: {  	_ =	shalt  }
0x6a: {  	_ =	shalt  }
0x6b: {  	_ =	shalt  }
0x6c: {  	_ =	shalt  }
0x6d: {  	_ =	shalt  }
0x6e: {  	_ =	shalt  }
0x6f: {  	_ =	shalt  }
0x70: {  	_ =	shalt  }
0x71: {  	_ =	shalt  }
0x72: {  	_ =	shalt  }
0x73: {  	_ =	shalt  }
0x74: {  	_ =	shalt  }
0x75: {  	_ =	shalt  }
0x76: {  	_ =	shalt  }
0x77: {  	_ =	shalt  }
0x78: {  	_ =	shalt  }
0x79: {  	_ =	shalt  }
0x7a: {  	_ =	shalt  }
0x7b: {  	_ =	shalt  }
0x7c: {  	_ =	shalt  }
0x7d: {  	_ =	shalt  }
0x7e: {  	_ =	shalt  }
0x7f: {  	_ =	shalt  }
0x80: {  	_ =	shalt  }
0x81: {  	_ =	shalt  }
0x82: {  	_ =	shalt  }
0x83: {  	_ =	shalt  }
0x84: {  	_ =	shalt  }
0x85: {  	_ =	shalt  }
0x86: {  	_ =	shalt  }
0x87: {  	_ =	shalt  }
.Lfunc_end0:
.L_simem_size_0:
called_computation_lowered:
.L_overlay_start_0:
0x88: {  	s2 =	sld [smem:$0x3FD9]  }
0x89: {  	s3 =	sld [smem:$0x3FFE];
	_ =	sdelay $0x1  }
0x8a: {  	s1 =	srdreg.scid  }
0x8b: {  	s0 =	sand.u32 $0x1, s1  }
0x8c: {  	s17 =	sshll.u32 s0, $0xA;
	s2 =	sadd.s32 s3, s2  }
0x8d: {  	s2 =	sadd.s32 s2, s17  }
0x8e: {  	[smem:$0x3FB6] =	sst s2  }
0x8f: {  	_ = 	snop  }
0x90: {  	s2 =	sld [smem:$0x3FD0];
	(tm) =	ssettm $0x1  }
0x91: {  	s18 =	sld [smem:$0x3FFB];
	_ =	sdelay $0x3  }
0x92: {  	_ =	strace s18  }
0x93: {  	s3 =	sld [smem:$0x3FFC];
	_ =	sdelay $0x3  }
0x94: {  	_ =	strace s3  }
0x95: {  	s3 =	sld [smem:$0x3FFD];
	_ =	sdelay $0x3  }
0x96: {  	_ =	strace s3  }
0x97: {  	_ =	strace $0x8FFFFFFF  }
0x98: {  	s19 =	sld [smem:$0x3FDB];
	_ =	sdelay $0x1  }
0x99: {  	s4 =	simm.s32 $_scs_section_size  }
0x9a: {  	s5 =	simm.s32 $_size__tile_overlayer_lowered;
	s6 =	simm.s32 $_tile_overlayer_lowered  }
0x9b: {  	s22 =	simm.s32 $0x1BFF;
	s21 =	sshll.u32 s6, $0x1;
	s3 =	sadd.s32 s4, s19  }
0x9c: {  	s7 =	simm.s32 $0x0;
	s20 =	sshll.u32 s5, $0x1;
	s5 =	sadd.s32 s21, s3  }
0x9d: {  	[timem:s7], [sflag:s22] =	dma.local [hbm:s5], s20  }
0x9e: {  	_ =	swait.ge [sflag:s22], s20  }
0x9f: {  	s4 =	ssub.s32 $0x0, s20;
	[sflag:s22] =	ssyncset.done $0x0  }
0xa0: {  	[sflag:s22] =	ssyncadd.s32 s4;
	_ =	sdelay $0x1  }
0xa1: {  	s23 =	simm.s32 $0x1B8B  }
0xa2: {  	_ =	swait.ge [sflag:s23], $0x1  }
0xa3: {  	[sflag:s23] =	ssyncset.done $0x0  }
0xa4: {  	s25 =	simm.s32 $0x1B8E;
	s24 =	sld [smem:$0x3FFE];
	[sflag:s23] =	ssyncadd.s32 $0xFFFFFFFF  }
0xa5: {  	s26 =	simm.s32 $execute0_lowered;
	[smem:$0x3FD2] =	sst s25  }
0xa6: {  	s5 =	sshll.u32 s26, $0x1;
	_ =	strace $0x80000046;
	[dreg:$0x1] =	wrdreg $0xFFFFFFFF  }
0xa7: {  	s28 =	simm.s32 $_size_execute0_lowered;
	s3 =	sadd.s32 s3, s5;
	[dreg:$0x0] =	wrdreg $0x0  }
0xa8: {  	s5 =	sshll.u32 s28, $0x1;
	[dreg:$0x2] =	wrdreg s3  }
0xa9: {  	[dreg:$0x3] =	wrdreg s5  }
0xaa: {  	[dreg:$0x4] =	wrdreg $0xC0  }
0xab: {  	_ =	task [dreg:s7], $0x5FFFF  }
0xac: {  	[dreg:$0x1] =	wrdreg $0xFFFFFFFF  }
0xad: {  	[dreg:$0x0] =	wrdreg $0x60  }
0xae: {  	[dreg:$0x2] =	wrdreg s24  }
0xaf: {  	[dreg:$0x3] =	wrdreg s2  }
0xb0: {  	[dreg:$0x4] =	wrdreg $0x50800  }
0xb1: {  	[dreg:$0x5] =	wrdreg $0x9  }
0xb2: {  	_ =	task.clear_ibuf [dreg:s7], $0x6FFFF;
	_ =	strace $0x90000046  }
0xb3: {  	s29 =	simm.s32 $0x9;
	_ =	strace $0x80000048  }
0xb4: {  	_ =	swait.ge [sflag:s29], $0x1  }
0xb5: {  	[sflag:s29] =	ssyncadd.s32 $0xFFFFFFFF  }
0xb6: {  	_ =	strace $0x90000048  }
0xb7: {  	_ =	sfence  }
0xb8: {  	s30 =	sld [smem:$0x0];
	_ =	sdelay $0x2  }
0xb9: {  	s31 =	sshll.u32 s1, $0xD;
	s1 =	sshrl.u32 s1, $0x2  }
0xba: {  	s3 =	sand.u32 $0x4000, s31;
	s1 =	sadd.s32 s1, s30  }
0xbb: {  	s0 =	sor.u32 s3, s0;
	s1 =	sshll.u32 s1, $0x11  }
0xbc: {  	s0 =	sor.u32 s1, s0  }
0xbd: {  	s0 =	sadd.s32 $0x8F2B, s0  }
0xbe: {  	[sflag:s0] =	ssyncadd.remote.s32 $0x1  }
0xbf: {  	_ =	sfence.sel $0xFFFF  }
0xc0: {  	[dreg:$0x0] =	wrdreg $0xFFFFFFFF;
	(pc) =	sbr.abs _section_cstart, $3  }
0xc1: {  	[dreg:$0x1] =	wrdreg $0xFFFFFFFF  }
0xc2: {  	_ =	task.clear_ibuf [dreg:s7], $0x2FFFF;
	_ =	strace $0x9FFFFFFF  }
0xc3: {  	(tm) =	ssettm $0x7FFFFFFF  }
tec
execute0_lowered:
.L_overlay_start_1:
0x0: {  	(tag) =	ssettag $0x1  }
0x1: {  	s8 =	rddreg [dreg:$0x0]  }
0x2: {  	s1 =	rddreg [dreg:$0x1]  }
0x3: {  	s2 =	rddreg [dreg:$0x2];
	v0 =	vlaneseq.u32  }
0x4: {  	s0 =	rddreg [dreg:$0x3];
	v0 =	vmul.u32 $0x10, v0  }
0x5: {  	s4 =	simm.s32 $0x0;
	s3 =	stileid.u32;
	s6 =	srdreg.scid  }
0x6: {  	v1 =	vimm.f32 $0.0e+00;
	s16 =	simm.s32 $0x80;
	s17 =	simm.s32 $0x480;
	s18 =	simm.s32 $0x880;
	v2 =	vor.u32 $0x4, v0  }
0x7: {  	s19 =	simm.s32 $0x4C80;
	s20 =	simm.s32 $0x2880;
	[smem:$0x7FF] =	sst s4;
	v3 =	vor.u32 $0x1, v0;
	v4 =	vor.u32 $0x5, v0;
	v5 =	vor.u32 $0x2, v0  }
0x8: {  	s9 =	smul.u32 $0x16380, s3;
	s5 =	sadd.s32 $0x3DC00, s8;
	s10 =	sand.u32 $0x1, s6;
	v6 =	vor.u32 $0x6, v0;
	v7 =	vor.u32 $0x3, v0;
	v8 =	vor.u32 $0x7, v0  }
0x9: {  	s11 =	smul.u32 $0x2C70, s3;
	s6 =	sadd.s32 $0xC600, s8;
	s7 =	sadd.s32 $0x2800, s8;
	v9 =	vor.u32 $0x100, v0;
	v10 =	vor.u32 $0x104, v0;
	v11 =	vor.u32 $0x101, v0  }
0xa: {  	s15 =	sshll.u32 s3, $0x1;
	s31 =	sshll.u32 s3, $0x6;
	_ =	strace $0x80000047;
	v12 =	vor.u32 $0x105, v0;
	v13 =	vor.u32 $0x102, v0;
	v14 =	vor.u32 $0x106, v0  }
0xb: {  	s13 =	smul.u32 $0x2C700, s10;
	s14 =	ssub.s32 $0x2, s10;
	s10 =	sor.u32 s10, s15;
	v15 =	vor.u32 $0x103, v0;
	v16 =	vor.u32 $0x107, v0;
	v17 =	vor.u32 $0x200, v0  }
0xc: {  	s15 =	simm.s32 $0x40;
	s12 =	sshrl.u32 s9, $0x3;
	s29 =	sshrl.u32 s14, $0x1;
	v18 =	vor.u32 $0x204, v0;
	v19 =	vor.u32 $0x201, v0;
	v20 =	vor.u32 $0x205, v0  }
0xd: {  	s30 =	sadd.s32 s9, s2;
	s9 =	sor.u32 $0x1C01, s31;
	s10 =	smul.u32 $0x2740, s10;
	v21 =	vor.u32 $0x202, v0;
	v22 =	vor.u32 $0x206, v0;
	v23 =	vor.u32 $0x203, v0  }
0xe: {  	v24 =	vor.u32 $0x207, v0;
	v25 =	vor.u32 $0x300, v0;
	v26 =	vor.u32 $0x304, v0;
	s12 =	sadd.s32 s12, s8;
	s11 =	sadd.s32 s11, s13;
	s13 =	ssub.s32 s14, s29  }
0xf: {  	v27 =	vor.u32 $0x301, v0;
	v28 =	vor.u32 $0x305, v0;
	v29 =	vor.u32 $0x302, v0;
	s14 =	simm.s32 $0x1;
	s11 =	sadd.s32 s11, s8;
	s8 =	sadd.s32 $0x65400, s12  }
0x10: {  	v30 =	vor.u32 $0x306, v0;
	v31 =	vor.u32 $0x303, v0;
	v32 =	vor.u32 $0x307, v0;
	s12 =	smax.u32 s13, $0x1;
	s13 =	sshrl.u32 s30, $0x3;
	s11 =	sadd.s32 $0x91C00, s11  }
.LBB2_1:
0x11: {  	s21 =	simm.s32 $0x40;
	s22 =	simm.s32 $0x0  }
.LBB2_2:
0x12: {  	p0 =	sne.s32 s21, $0xFC0;
	[tilespmem:s22+$0x4C80] =	vst v1;
	s22 =	smov.u32 s21;
	s21 =	sadd.s32 $0x40, s21  }
.Ltmp0:
0x13: {  	(pc) =	sbr.rel @p0 .LBB2_2-.Ltmp0, $2  }
0x14: {  	_ =	sdelay $0x2  }
0x15: {  	s22 =	sshra.s32 s22, $0x2  }
0x16: {  	[tilespmem:s22+$0x4C80] =	vst v1  }
0x17: {  	[spmem:s13], [sflag:s9] =	dma.local [hbm:s8], $0x2C70  }
0x18: {  	_ =	swait.ge [sflag:s14], $0x2C70  }
0x19: {  	[sflag:s14] =	ssyncset.done $0x0  }
0x1a: {  	[sflag:s14] =	ssyncadd.s32 $0xFFFFD390  }
0x1b: {  	s21 =	simm.s32 $0x0;
	s22 =	simm.s32 $0x0;
	[bflag:$0x0] =	sbarrier.arrive $0xFFFF  }
.LBB2_4:
0x1c: {  	s23 =	sshll.u32 s22, $0x6  }
0x1d: {  	s23 =	sadd.s32 s10, s23  }
0x1e: {  	s23 =	sshrl.u32 s23, $0x3  }
0x1f: {  	s24 =	sadd.s32 s6, s23  }
0x20: {  	[tilespmem:s21], [sflag:$0x1] =	stream.linear.gather [hbm4b:s24+s21], $0x40, $0x38;
	[tilespmem:$0x1B400] =	vst v63  }
0x21: {  	_ =	swait.ge [sflag:s14], $0x40  }
0x22: {  	[sflag:s14] =	ssyncset.done $0x0  }
0x23: {  	s23 =	sadd.s32 s7, s23;
	[sflag:s14] =	ssyncadd.s32 $0xFFFFFFC0  }
0x24: {  	[tilespmem:s15], [sflag:$0x1] =	stream.linear.gather [hbm4b:s23+s21], $0x40, $0x38;
	[tilespmem:$0x1B400] =	vst v63  }
0x25: {  	_ =	swait.ge [sflag:s14], $0x40  }
0x26: {  	[sflag:s14] =	ssyncset.done $0x0  }
0x27: {  	[sflag:s14] =	ssyncadd.s32 $0xFFFFFFC0  }
0x28: {  	[tilespmem:s16], [sflag:$0x1] =	stream.indirect.gather [hbm4b:s1+s15], $0x10, s21, s15, $0xb8;
	[tilespmem:$0x1B400] =	vst v63  }
0x29: {  	_ =	swait.ge [sflag:s14], $0x400  }
0x2a: {  	[sflag:s14] =	ssyncset.done $0x0  }
0x2b: {  	[sflag:s14] =	ssyncadd.s32 $0xFFFFFC00  }
0x2c: {  	[tilespmem:s17], [sflag:$0x1] =	stream.indirect.gather [hbm4b:s1+s15], $0x10, s15, s15, $0xb8;
	[tilespmem:$0x1B400] =	vst v63  }
0x2d: {  	_ =	swait.ge [sflag:s14], $0x400  }
0x2e: {  	[sflag:s14] =	ssyncset.done $0x0  }
0x2f: {  	[sflag:s14] =	ssyncadd.s32 $0xFFFFFC00  }
0x30: {  	[tilespmem:s18], [sflag:$0x1] =	stream.indirect.gather [hbm4b:s5+s15], $0x80, s21, s15, $0xb8;
	[tilespmem:$0x1B400] =	vst v63  }
0x31: {  	_ =	swait.ge [sflag:s14], $0x2000  }
0x32: {  	[sflag:s14] =	ssyncset.done $0x0  }
0x33: {  	[sflag:s14] =	ssyncadd.s32 $0xFFFFE000  }
0x34: {  	v33 =	vld.idx.msk [tilespmem:v0+s16+$0x0], $0xffff  }
0x35: {  	v34 =	vld.idx.msk [tilespmem:v2+s17+$0x0], $0xffff;
	_ =	sdelay $0x4  }
0x36: {  	v33 =	vadd.f32 v34, v33;
	_ =	sdelay $0x1  }
0x37: {  	v34 =	vmul.f32 $2.000000030e-01, v33;
	_ =	sdelay $0x1  }
0x38: {  	v33 =	vmax.f32 v33, v34  }
0x39: {  	v33 =	vmul.f32 $1.442695020e+00, v33;
	_ =	sdelay $0x1  }
0x3a: {  	(erf) = vpow2.f32 v33;
	_ =	sdelay $0x8  }
0x3b: {  	v33 =	vpop (erf)  }
0x3c: {  	[tilespmem:v0+s19+$0x0] =	vst.idx.msk $0xffff, v33  }
0x3d: {  	v33 =	vld.idx.msk [tilespmem:v3+s16+$0x0], $0xffff  }
0x3e: {  	v46 =	vld.idx.msk [tilespmem:v4+s17+$0x0], $0xffff;
	_ =	sdelay $0x4  }
0x3f: {  	v33 =	vadd.f32 v46, v33;
	_ =	sdelay $0x1  }
0x40: {  	v34 =	vmul.f32 $2.000000030e-01, v33;
	_ =	sdelay $0x1  }
0x41: {  	v33 =	vmax.f32 v33, v34  }
0x42: {  	v33 =	vmul.f32 $1.442695020e+00, v33;
	_ =	sdelay $0x1  }
0x43: {  	(erf) = vpow2.f32 v33;
	_ =	sdelay $0x8  }
0x44: {  	v33 =	vpop (erf)  }
0x45: {  	[tilespmem:v3+s19+$0x0] =	vst.idx.msk $0xffff, v33  }
0x46: {  	v33 =	vld.idx.msk [tilespmem:v5+s16+$0x0], $0xffff  }
0x47: {  	v47 =	vld.idx.msk [tilespmem:v6+s17+$0x0], $0xffff;
	_ =	sdelay $0x4  }
0x48: {  	v33 =	vadd.f32 v47, v33;
	_ =	sdelay $0x1  }
0x49: {  	v34 =	vmul.f32 $2.000000030e-01, v33;
	_ =	sdelay $0x1  }
0x4a: {  	v33 =	vmax.f32 v33, v34  }
0x4b: {  	v33 =	vmul.f32 $1.442695020e+00, v33;
	_ =	sdelay $0x1  }
0x4c: {  	(erf) = vpow2.f32 v33;
	_ =	sdelay $0x8  }
0x4d: {  	v33 =	vpop (erf)  }
0x4e: {  	[tilespmem:v5+s19+$0x0] =	vst.idx.msk $0xffff, v33  }
0x4f: {  	v33 =	vld.idx.msk [tilespmem:v7+s16+$0x0], $0xffff  }
0x50: {  	v48 =	vld.idx.msk [tilespmem:v8+s17+$0x0], $0xffff;
	_ =	sdelay $0x4  }
0x51: {  	v33 =	vadd.f32 v48, v33;
	_ =	sdelay $0x1  }
0x52: {  	v34 =	vmul.f32 $2.000000030e-01, v33;
	_ =	sdelay $0x1  }
0x53: {  	v33 =	vmax.f32 v33, v34  }
0x54: {  	v33 =	vmul.f32 $1.442695020e+00, v33;
	_ =	sdelay $0x1  }
0x55: {  	(erf) = vpow2.f32 v33;
	_ =	sdelay $0x8  }
0x56: {  	v33 =	vpop (erf)  }
0x57: {  	[tilespmem:v7+s19+$0x0] =	vst.idx.msk $0xffff, v33  }
0x58: {  	v33 =	vld.idx.msk [tilespmem:v9+s16+$0x0], $0xffff  }
0x59: {  	v49 =	vld.idx.msk [tilespmem:v10+s17+$0x0], $0xffff;
	_ =	sdelay $0x4  }
0x5a: {  	v33 =	vadd.f32 v49, v33;
	_ =	sdelay $0x1  }
0x5b: {  	v34 =	vmul.f32 $2.000000030e-01, v33;
	_ =	sdelay $0x1  }
0x5c: {  	v33 =	vmax.f32 v33, v34  }
0x5d: {  	v33 =	vmul.f32 $1.442695020e+00, v33;
	_ =	sdelay $0x1  }
0x5e: {  	(erf) = vpow2.f32 v33;
	_ =	sdelay $0x8  }
0x5f: {  	v33 =	vpop (erf)  }
0x60: {  	[tilespmem:v9+s19+$0x0] =	vst.idx.msk $0xffff, v33  }
0x61: {  	v33 =	vld.idx.msk [tilespmem:v11+s16+$0x0], $0xffff  }
0x62: {  	v50 =	vld.idx.msk [tilespmem:v12+s17+$0x0], $0xffff;
	_ =	sdelay $0x4  }
0x63: {  	v33 =	vadd.f32 v50, v33;
	_ =	sdelay $0x1  }
0x64: {  	v34 =	vmul.f32 $2.000000030e-01, v33;
	_ =	sdelay $0x1  }
0x65: {  	v33 =	vmax.f32 v33, v34  }
0x66: {  	v33 =	vmul.f32 $1.442695020e+00, v33;
	_ =	sdelay $0x1  }
0x67: {  	(erf) = vpow2.f32 v33;
	_ =	sdelay $0x8  }
0x68: {  	v33 =	vpop (erf)  }
0x69: {  	[tilespmem:v11+s19+$0x0] =	vst.idx.msk $0xffff, v33  }
0x6a: {  	v33 =	vld.idx.msk [tilespmem:v13+s16+$0x0], $0xffff  }
0x6b: {  	v51 =	vld.idx.msk [tilespmem:v14+s17+$0x0], $0xffff;
	_ =	sdelay $0x4  }
0x6c: {  	v33 =	vadd.f32 v51, v33;
	_ =	sdelay $0x1  }
0x6d: {  	v34 =	vmul.f32 $2.000000030e-01, v33;
	_ =	sdelay $0x1  }
0x6e: {  	v33 =	vmax.f32 v33, v34  }
0x6f: {  	v33 =	vmul.f32 $1.442695020e+00, v33;
	_ =	sdelay $0x1  }
0x70: {  	(erf) = vpow2.f32 v33;
	_ =	sdelay $0x8  }
0x71: {  	v33 =	vpop (erf)  }
0x72: {  	[tilespmem:v13+s19+$0x0] =	vst.idx.msk $0xffff, v33  }
0x73: {  	v33 =	vld.idx.msk [tilespmem:v15+s16+$0x0], $0xffff  }
0x74: {  	v52 =	vld.idx.msk [tilespmem:v16+s17+$0x0], $0xffff;
	_ =	sdelay $0x4  }
0x75: {  	v33 =	vadd.f32 v52, v33;
	_ =	sdelay $0x1  }
0x76: {  	v34 =	vmul.f32 $2.000000030e-01, v33;
	_ =	sdelay $0x1  }
0x77: {  	v33 =	vmax.f32 v33, v34  }
0x78: {  	v33 =	vmul.f32 $1.442695020e+00, v33;
	_ =	sdelay $0x1  }
0x79: {  	(erf) = vpow2.f32 v33;
	_ =	sdelay $0x8  }
0x7a: {  	v33 =	vpop (erf)  }
0x7b: {  	[tilespmem:v15+s19+$0x0] =	vst.idx.msk $0xffff, v33  }
0x7c: {  	v33 =	vld.idx.msk [tilespmem:v17+s16+$0x0], $0xffff  }
0x7d: {  	v53 =	vld.idx.msk [tilespmem:v18+s17+$0x0], $0xffff;
	_ =	sdelay $0x4  }
0x7e: {  	v33 =	vadd.f32 v53, v33;
	_ =	sdelay $0x1  }
0x7f: {  	v34 =	vmul.f32 $2.000000030e-01, v33;
	_ =	sdelay $0x1  }
0x80: {  	v33 =	vmax.f32 v33, v34  }
0x81: {  	v33 =	vmul.f32 $1.442695020e+00, v33;
	_ =	sdelay $0x1  }
0x82: {  	(erf) = vpow2.f32 v33;
	_ =	sdelay $0x8  }
0x83: {  	v33 =	vpop (erf)  }
0x84: {  	[tilespmem:v17+s19+$0x0] =	vst.idx.msk $0xffff, v33  }
0x85: {  	v33 =	vld.idx.msk [tilespmem:v19+s16+$0x0], $0xffff  }
0x86: {  	v54 =	vld.idx.msk [tilespmem:v20+s17+$0x0], $0xffff;
	_ =	sdelay $0x4  }
0x87: {  	v33 =	vadd.f32 v54, v33;
	_ =	sdelay $0x1  }
0x88: {  	v34 =	vmul.f32 $2.000000030e-01, v33;
	_ =	sdelay $0x1  }
0x89: {  	v33 =	vmax.f32 v33, v34  }
0x8a: {  	v33 =	vmul.f32 $1.442695020e+00, v33;
	_ =	sdelay $0x1  }
0x8b: {  	(erf) = vpow2.f32 v33;
	_ =	sdelay $0x8  }
0x8c: {  	v33 =	vpop (erf)  }
0x8d: {  	[tilespmem:v19+s19+$0x0] =	vst.idx.msk $0xffff, v33  }
0x8e: {  	v33 =	vld.idx.msk [tilespmem:v21+s16+$0x0], $0xffff  }
0x8f: {  	v55 =	vld.idx.msk [tilespmem:v22+s17+$0x0], $0xffff;
	_ =	sdelay $0x4  }
0x90: {  	v33 =	vadd.f32 v55, v33;
	_ =	sdelay $0x1  }
0x91: {  	v34 =	vmul.f32 $2.000000030e-01, v33;
	_ =	sdelay $0x1  }
0x92: {  	v33 =	vmax.f32 v33, v34  }
0x93: {  	v33 =	vmul.f32 $1.442695020e+00, v33;
	_ =	sdelay $0x1  }
0x94: {  	(erf) = vpow2.f32 v33;
	_ =	sdelay $0x8  }
0x95: {  	v33 =	vpop (erf)  }
0x96: {  	[tilespmem:v21+s19+$0x0] =	vst.idx.msk $0xffff, v33  }
0x97: {  	v33 =	vld.idx.msk [tilespmem:v23+s16+$0x0], $0xffff  }
0x98: {  	v56 =	vld.idx.msk [tilespmem:v24+s17+$0x0], $0xffff;
	_ =	sdelay $0x4  }
0x99: {  	v33 =	vadd.f32 v56, v33;
	_ =	sdelay $0x1  }
0x9a: {  	v34 =	vmul.f32 $2.000000030e-01, v33;
	_ =	sdelay $0x1  }
0x9b: {  	v33 =	vmax.f32 v33, v34  }
0x9c: {  	v33 =	vmul.f32 $1.442695020e+00, v33;
	_ =	sdelay $0x1  }
0x9d: {  	(erf) = vpow2.f32 v33;
	_ =	sdelay $0x8  }
0x9e: {  	v33 =	vpop (erf)  }
0x9f: {  	[tilespmem:v23+s19+$0x0] =	vst.idx.msk $0xffff, v33  }
0xa0: {  	v33 =	vld.idx.msk [tilespmem:v25+s16+$0x0], $0xffff  }
0xa1: {  	v57 =	vld.idx.msk [tilespmem:v26+s17+$0x0], $0xffff;
	_ =	sdelay $0x4  }
0xa2: {  	v33 =	vadd.f32 v57, v33;
	_ =	sdelay $0x1  }
0xa3: {  	v34 =	vmul.f32 $2.000000030e-01, v33;
	_ =	sdelay $0x1  }
0xa4: {  	v33 =	vmax.f32 v33, v34  }
0xa5: {  	v33 =	vmul.f32 $1.442695020e+00, v33;
	_ =	sdelay $0x1  }
0xa6: {  	(erf) = vpow2.f32 v33;
	_ =	sdelay $0x8  }
0xa7: {  	v33 =	vpop (erf)  }
0xa8: {  	[tilespmem:v25+s19+$0x0] =	vst.idx.msk $0xffff, v33  }
0xa9: {  	v33 =	vld.idx.msk [tilespmem:v27+s16+$0x0], $0xffff  }
0xaa: {  	v58 =	vld.idx.msk [tilespmem:v28+s17+$0x0], $0xffff;
	_ =	sdelay $0x4  }
0xab: {  	v33 =	vadd.f32 v58, v33;
	_ =	sdelay $0x1  }
0xac: {  	v34 =	vmul.f32 $2.000000030e-01, v33;
	_ =	sdelay $0x1  }
0xad: {  	v33 =	vmax.f32 v33, v34  }
0xae: {  	v33 =	vmul.f32 $1.442695020e+00, v33;
	_ =	sdelay $0x1  }
0xaf: {  	(erf) = vpow2.f32 v33;
	_ =	sdelay $0x8  }
0xb0: {  	v33 =	vpop (erf)  }
0xb1: {  	[tilespmem:v27+s19+$0x0] =	vst.idx.msk $0xffff, v33  }
0xb2: {  	v33 =	vld.idx.msk [tilespmem:v29+s16+$0x0], $0xffff  }
0xb3: {  	v59 =	vld.idx.msk [tilespmem:v30+s17+$0x0], $0xffff;
	_ =	sdelay $0x4  }
0xb4: {  	v33 =	vadd.f32 v59, v33;
	_ =	sdelay $0x1  }
0xb5: {  	v34 =	vmul.f32 $2.000000030e-01, v33;
	_ =	sdelay $0x1  }
0xb6: {  	v33 =	vmax.f32 v33, v34  }
0xb7: {  	v33 =	vmul.f32 $1.442695020e+00, v33;
	_ =	sdelay $0x1  }
0xb8: {  	(erf) = vpow2.f32 v33;
	_ =	sdelay $0x8  }
0xb9: {  	v33 =	vpop (erf)  }
0xba: {  	[tilespmem:v29+s19+$0x0] =	vst.idx.msk $0xffff, v33  }
0xbb: {  	v33 =	vld.idx.msk [tilespmem:v31+s16+$0x0], $0xffff  }
0xbc: {  	v60 =	vld.idx.msk [tilespmem:v32+s17+$0x0], $0xffff;
	_ =	sdelay $0x4  }
0xbd: {  	v33 =	vadd.f32 v60, v33;
	_ =	sdelay $0x1  }
0xbe: {  	v34 =	vmul.f32 $2.000000030e-01, v33;
	_ =	sdelay $0x1  }
0xbf: {  	v33 =	vmax.f32 v33, v34  }
0xc0: {  	v33 =	vmul.f32 $1.442695020e+00, v33;
	_ =	sdelay $0x1  }
0xc1: {  	(erf) = vpow2.f32 v33;
	_ =	sdelay $0x8  }
0xc2: {  	v33 =	vpop (erf)  }
0xc3: {  	s31 =	simm.s32 $0x0;
	[tilespmem:v31+s19+$0x0] =	vst.idx.msk $0xffff, v33  }
0xc4: {  	v33 =	vld [tilespmem:s31+$0x4C80];
	_ =	sdelay $0x3  }
0xc5: {  	s24 =	simm.s32 $0x28C0  }
0xc6: {  	s23 =	simm.s32 $0x8C0;
	[tilespmem:s24+$0x40] =	vst v33  }
0xc7: {  	v61 =	vld [tilespmem:s23+$0xFFFFFFC0];
	_ =	sdelay $0x2  }
0xc8: {  	v35 =	vbroadcast v33, $0x0;
	_ =	sdelay $0x1  }
0xc9: {  	v34 =	vmul.f32 v61, v35;
	_ =	sdelay $0x1  }
0xca: {  	[tilespmem:s24+$0xFFFFFFC0] =	vst v34  }
0xcb: {  	v34 =	vld [tilespmem:s23+$0xFFFFFFD0];
	_ =	sdelay $0x4  }
0xcc: {  	v34 =	vmul.f32 v34, v35;
	_ =	sdelay $0x1  }
0xcd: {  	[tilespmem:s24+$0xFFFFFFD0] =	vst v34  }
0xce: {  	v34 =	vld [tilespmem:s23+$0xFFFFFFE0];
	_ =	sdelay $0x2  }
0xcf: {  	v62 =	vbroadcast v33, $0x1;
	_ =	sdelay $0x1  }
0xd0: {  	v34 =	vmul.f32 v34, v62;
	_ =	sdelay $0x1  }
0xd1: {  	[tilespmem:s24+$0xFFFFFFE0] =	vst v34  }
0xd2: {  	v34 =	vld [tilespmem:s23+$0xFFFFFFF0];
	_ =	sdelay $0x4  }
0xd3: {  	v34 =	vmul.f32 v34, v62;
	_ =	sdelay $0x1  }
0xd4: {  	[tilespmem:s24+$0xFFFFFFF0] =	vst v34  }
0xd5: {  	v34 =	vld [tilespmem:s23+$0x0];
	_ =	sdelay $0x2  }
0xd6: {  	v63 =	vbroadcast v33, $0x2;
	_ =	sdelay $0x1  }
0xd7: {  	v34 =	vmul.f32 v34, v63;
	_ =	sdelay $0x1  }
0xd8: {  	[tilespmem:s24+$0x0] =	vst v34  }
0xd9: {  	v34 =	vld [tilespmem:s23+$0x10];
	_ =	sdelay $0x4  }
0xda: {  	v34 =	vmul.f32 v34, v63;
	_ =	sdelay $0x1  }
0xdb: {  	[tilespmem:s24+$0x10] =	vst v34  }
0xdc: {  	v34 =	vld [tilespmem:s23+$0x20];
	_ =	sdelay $0x2  }
0xdd: {  	v33 =	vbroadcast v33, $0x3;
	_ =	sdelay $0x1  }
0xde: {  	v34 =	vmul.f32 v34, v33;
	_ =	sdelay $0x1  }
0xdf: {  	[tilespmem:s24+$0x20] =	vst v34  }
0xe0: {  	v34 =	vld [tilespmem:s23+$0x30];
	_ =	sdelay $0x4  }
0xe1: {  	v33 =	vmul.f32 v34, v33;
	_ =	sdelay $0x1  }
0xe2: {  	s26 =	simm.s32 $0x10;
	s25 =	simm.s32 $0x80;
	[tilespmem:s24+$0x30] =	vst v33  }
.LBB2_5:
0xe3: {  	p0 =	sne.s32 s25, $0xFC0;
	v33 =	vld [tilespmem:s26+$0x4C80];
	_ =	sdelay $0x3  }
0xe4: {  	s24 =	sadd.s32 $0x90, s24  }
0xe5: {  	s23 =	sadd.s32 $0x80, s23;
	[tilespmem:s24+$0x40] =	vst v33  }
0xe6: {  	v34 =	vld [tilespmem:s23+$0xFFFFFFC0];
	_ =	sdelay $0x2  }
0xe7: {  	v35 =	vbroadcast v33, $0x0;
	_ =	sdelay $0x1  }
0xe8: {  	v34 =	vmul.f32 v34, v35;
	_ =	sdelay $0x1  }
0xe9: {  	[tilespmem:s24+$0xFFFFFFC0] =	vst v34  }
0xea: {  	v34 =	vld [tilespmem:s23+$0xFFFFFFD0];
	_ =	sdelay $0x4  }
0xeb: {  	v34 =	vmul.f32 v34, v35;
	_ =	sdelay $0x1  }
0xec: {  	[tilespmem:s24+$0xFFFFFFD0] =	vst v34  }
0xed: {  	v34 =	vld [tilespmem:s23+$0xFFFFFFE0];
	_ =	sdelay $0x2  }
0xee: {  	v35 =	vbroadcast v33, $0x1;
	_ =	sdelay $0x1  }
0xef: {  	v34 =	vmul.f32 v34, v35;
	_ =	sdelay $0x1  }
0xf0: {  	[tilespmem:s24+$0xFFFFFFE0] =	vst v34  }
0xf1: {  	v34 =	vld [tilespmem:s23+$0xFFFFFFF0];
	_ =	sdelay $0x4  }
0xf2: {  	v34 =	vmul.f32 v34, v35;
	_ =	sdelay $0x1  }
0xf3: {  	[tilespmem:s24+$0xFFFFFFF0] =	vst v34  }
0xf4: {  	v34 =	vld [tilespmem:s23+$0x0];
	_ =	sdelay $0x2  }
0xf5: {  	v35 =	vbroadcast v33, $0x2;
	_ =	sdelay $0x1  }
0xf6: {  	v34 =	vmul.f32 v34, v35;
	_ =	sdelay $0x1  }
0xf7: {  	[tilespmem:s24+$0x0] =	vst v34  }
0xf8: {  	v34 =	vld [tilespmem:s23+$0x10];
	_ =	sdelay $0x4  }
0xf9: {  	v34 =	vmul.f32 v34, v35;
	_ =	sdelay $0x1  }
0xfa: {  	[tilespmem:s24+$0x10] =	vst v34  }
0xfb: {  	v34 =	vld [tilespmem:s23+$0x20];
	_ =	sdelay $0x2  }
0xfc: {  	v33 =	vbroadcast v33, $0x3;
	_ =	sdelay $0x1  }
0xfd: {  	v34 =	vmul.f32 v34, v33;
	_ =	sdelay $0x1  }
0xfe: {  	[tilespmem:s24+$0x20] =	vst v34  }
0xff: {  	v34 =	vld [tilespmem:s23+$0x30];
	_ =	sdelay $0x2  }
.Ltmp1:
0x100: {  	(pc) =	sbr.rel @p0 .LBB2_5-.Ltmp1, $3  }
0x101: {  	_ = 	snop  }
0x102: {  	v33 =	vmul.f32 v34, v33;
	_ =	sdelay $0x1  }
0x103: {  	s26 =	sshra.s32 s25, $0x2;
	s25 =	sadd.s32 $0x40, s25;
	[tilespmem:s24+$0x30] =	vst v33  }
0x104: {  	v33 =	vld [tilespmem:s26+$0x4C80];
	_ =	sdelay $0x3  }
0x105: {  	s24 =	sadd.s32 $0x90, s24  }
0x106: {  	s23 =	sadd.s32 $0x80, s23;
	[tilespmem:s24+$0x40] =	vst v33  }
0x107: {  	v34 =	vld [tilespmem:s23+$0xFFFFFFC0];
	_ =	sdelay $0x2  }
0x108: {  	v35 =	vbroadcast v33, $0x0;
	_ =	sdelay $0x1  }
0x109: {  	v34 =	vmul.f32 v34, v35;
	_ =	sdelay $0x1  }
0x10a: {  	[tilespmem:s24+$0xFFFFFFC0] =	vst v34  }
0x10b: {  	v34 =	vld [tilespmem:s23+$0xFFFFFFD0];
	_ =	sdelay $0x4  }
0x10c: {  	v34 =	vmul.f32 v34, v35;
	_ =	sdelay $0x1  }
0x10d: {  	[tilespmem:s24+$0xFFFFFFD0] =	vst v34  }
0x10e: {  	v34 =	vld [tilespmem:s23+$0xFFFFFFE0];
	_ =	sdelay $0x2  }
0x10f: {  	v62 =	vbroadcast v33, $0x1;
	_ =	sdelay $0x1  }
0x110: {  	v34 =	vmul.f32 v34, v62;
	_ =	sdelay $0x1  }
0x111: {  	[tilespmem:s24+$0xFFFFFFE0] =	vst v34  }
0x112: {  	v34 =	vld [tilespmem:s23+$0xFFFFFFF0];
	_ =	sdelay $0x4  }
0x113: {  	v34 =	vmul.f32 v34, v62;
	_ =	sdelay $0x1  }
0x114: {  	[tilespmem:s24+$0xFFFFFFF0] =	vst v34  }
0x115: {  	v34 =	vld [tilespmem:s23+$0x0];
	_ =	sdelay $0x2  }
0x116: {  	v63 =	vbroadcast v33, $0x2;
	_ =	sdelay $0x1  }
0x117: {  	v34 =	vmul.f32 v34, v63;
	_ =	sdelay $0x1  }
0x118: {  	[tilespmem:s24+$0x0] =	vst v34  }
0x119: {  	v34 =	vld [tilespmem:s23+$0x10];
	_ =	sdelay $0x4  }
0x11a: {  	v34 =	vmul.f32 v34, v63;
	_ =	sdelay $0x1  }
0x11b: {  	[tilespmem:s24+$0x10] =	vst v34  }
0x11c: {  	v34 =	vld [tilespmem:s23+$0x20];
	_ =	sdelay $0x2  }
0x11d: {  	v33 =	vbroadcast v33, $0x3;
	_ =	sdelay $0x1  }
0x11e: {  	v34 =	vmul.f32 v34, v33;
	_ =	sdelay $0x1  }
0x11f: {  	[tilespmem:s24+$0x20] =	vst v34  }
0x120: {  	v34 =	vld [tilespmem:s23+$0x30];
	_ =	sdelay $0x4  }
0x121: {  	s22 =	sadd.s32 $0x1, s22;
	v33 =	vmul.f32 v34, v33  }
0x122: {  	p0 =	sne.s32 s22, $0x9D  }
.Ltmp2:
0x123: {  	[tilespmem:s24+$0x30] =	vst v33;
	(pc) =	sbr.rel @p0 .LBB2_4-.Ltmp2, $4  }
0x124: {  	[spmem:s2] =	stream.indirect.scatter.add.f32 [tilespmem:s20], [sflag:$0x1], $0x90, s15, s15, $0xb8;
	[tilespmem:$0x1B400] =	vst v63  }
0x125: {  	_ =	swait.ge [sflag:s14], $0x2400  }
0x126: {  	[sflag:s14] =	ssyncset.done $0x0  }
0x127: {  	[sflag:s14] =	ssyncadd.s32 $0xFFFFDC00  }
0x128: {  	s4 =	sadd.s32 $0x1, s4  }
0x129: {  	p0 =	sne.s32 s4, s12  }
.Ltmp3:
0x12a: {  	[bflag:$0x0] =	sbarrier.arrive $0xFFFF;
	(pc) =	sbr.rel @p0 .LBB2_1-.Ltmp3, $4  }
0x12b: {  	[hbm:s11], [sflag:s9] =	dma.local [spmem:s13], $0x2C70  }
0x12c: {  	_ =	swait.ge [sflag:s14], $0x2C70  }
0x12d: {  	[sflag:s14] =	ssyncset.done $0x0  }
0x12e: {  	[sflag:s14] =	ssyncadd.s32 $0xFFFFD390  }
0x12f: {  	_ =	sfence.sel $0x180000  }
0x130: {  	[bflag:$0x0] =	sbarrier.arrive $0xFFFF  }
0x131: {  	p0 =	sne.s32 s3, $0x0;
	_ =	strace $0x90000047  }
0x132: {  	s0 =	sadd.s32 @!p0 $0x100000, s0;
	[bflag:$0x2] =	sbarrier.arrive $0xFFFF  }
0x133: {  	[sflag:s0] =	ssyncadd.tile.s32 @!p0 $0x1;
	_ =	shalt  }
.Lfunc_end2:
_tile_overlayer_lowered:
.L_overlay_start_2:
0x134: {  	(tag) =	ssettag $0x2  }
0x135: {  	s0 =	rddreg [dreg:$0x0];
	s2 =	stileid.u32  }
0x136: {  	s1 =	rddreg [dreg:$0x1];
	p0 =	sne.s32 s2, $0x0  }
0x137: {  	s3 =	rddreg [dreg:$0x2];
	[bflag:$0x3] =	sbarrier.arrive $0xFFFF;
	s2 =	simm.s32 @!p0 $0x1C01  }
0x138: {  	[timem:s3], [sflag:s2] =	dma.local @!p0 [hbm:s0], s1  }
0x139: {  	s0 =	simm.s32 @!p0 $0x1  }
0x13a: {  	_ =	swait.ge @!p0 [sflag:s0], s1  }
0x13b: {  	s1 =	ssub.s32 @!p0 $0x0, s1;
	[sflag:s0] =	ssyncset.done @!p0 $0x0  }
0x13c: {  	[sflag:s0] =	ssyncadd.s32 @!p0 s1  }
0x13d: {  	[bflag:$0x3] =	sbarrier.arrive $0xFFFF  }
0x13e: {  	_ =	shalt  }

</sc_bundles>
